<compile_context>
chip_gen: v7x
topology: tpu7x:2x2x1
jax: 0.10.2.dev20260603
libtpu: 0.0.44.dev20260713+nightly
codegen_flags: <defaults>
</compile_context>

<pallas_src>
import functools

import jax
import jax.numpy as jnp
from jax import lax
from jax.experimental import pallas as pl
from jax.experimental.pallas import tpu as pltpu
from jax.experimental.pallas import tpu_sc as plsc

_TRACK_THRESH = 0.3
_START_THRESH = 0.5
_RESUME_THRESH = 0.4
_NMS_THRESH = 0.5
_NEXT_ID = 1000

_N = 5000
_B = 128
_NB = 40
_NP = _NB * _B
_BS = 1024
_NBS = _NP // _BS


_SC_NW = 32
_SC_D = 128
_GPW = _NP // _SC_NW
_GCH = 80

_sc_mesh = plsc.VectorSubcoreMesh(core_axis_name="c", subcore_axis_name="s")


@functools.partial(
    pl.kernel, mesh=_sc_mesh,
    out_type=jax.ShapeDtypeStruct((_NP, _SC_D), jnp.float32),
    scratch_types=[pltpu.VMEM((_GCH,), jnp.int32),
                   pltpu.VMEM((_GCH, _SC_D), jnp.float32),
                   pltpu.SemaphoreType.DMA],
)
def _sc_gather(table_hbm, idx_hbm, out_hbm, idx_v, rows_v, sem):
    wid = lax.axis_index("s") * 2 + lax.axis_index("c")
    for c in range(_GPW // _GCH):
        base = wid * _GPW + c * _GCH
        pltpu.sync_copy(idx_hbm.at[pl.ds(base, _GCH)], idx_v)
        pltpu.async_copy(table_hbm.at[idx_v], rows_v, sem).wait()
        pltpu.sync_copy(rows_v, out_hbm.at[pl.ds(base, _GCH)])


@functools.partial(
    pl.kernel, mesh=_sc_mesh,
    out_type=jax.ShapeDtypeStruct((_NP, _SC_D), jnp.float32),
    scratch_types=[pltpu.VMEM((_GCH,), jnp.int32),
                   pltpu.VMEM((_GCH, _SC_D), jnp.float32),
                   pltpu.SemaphoreType.DMA],
)
def _sc_scatter(rows_hbm, idx_hbm, out_hbm, idx_v, rows_v, sem):
    wid = lax.axis_index("s") * 2 + lax.axis_index("c")
    for c in range(_GPW // _GCH):
        base = wid * _GPW + c * _GCH
        pltpu.sync_copy(idx_hbm.at[pl.ds(base, _GCH)], idx_v)
        pltpu.sync_copy(rows_hbm.at[pl.ds(base, _GCH)], rows_v)
        pltpu.async_copy(rows_v, out_hbm.at[idx_v], sem).wait()


def _boost_kernel(ids_ref, act_ref, boost_ref):
    ids = ids_ref[...]
    act = act_ref[...]
    m = (ids[None, :, :] == act).astype(jnp.float32).sum(axis=0)
    boost_ref[...] = jnp.where((m > 0.0) & (ids >= 0), 1.0, 0.0)


def _nms_kernel(x1_ref, y1_ref, x2_ref, y2_ref,
                x1c_ref, y1c_ref, x2c_ref, y2c_ref, keep_ref):

    def iou_tile(j, bx1, by1, bx2, by2, barea):
        jx1 = x1c_ref[pl.ds(j, 1), :, :].reshape(_BS, 1)
        jy1 = y1c_ref[pl.ds(j, 1), :, :].reshape(_BS, 1)
        jx2 = x2c_ref[pl.ds(j, 1), :, :].reshape(_BS, 1)
        jy2 = y2c_ref[pl.ds(j, 1), :, :].reshape(_BS, 1)
        jarea = (jx2 - jx1) * (jy2 - jy1)
        xx1 = jnp.maximum(jx1, bx1)
        yy1 = jnp.maximum(jy1, by1)
        xx2 = jnp.minimum(jx2, bx2)
        yy2 = jnp.minimum(jy2, by2)
        w = jnp.maximum(xx2 - xx1, 0.0)
        h = jnp.maximum(yy2 - yy1, 0.0)
        inter = w * h
        iou = inter / (jarea + barea - inter + 1e-9)
        return (iou > _NMS_THRESH).astype(jnp.float32)

    def block_step(i, carry):
        bx1 = x1_ref[pl.ds(i, 1), :]
        by1 = y1_ref[pl.ds(i, 1), :]
        bx2 = x2_ref[pl.ds(i, 1), :]
        by2 = y2_ref[pl.ds(i, 1), :]
        barea = (bx2 - bx1) * (by2 - by1)

        def prev(j, sup):
            s = iou_tile(j, bx1, by1, bx2, by2, barea)
            kj = keep_ref[pl.ds(j, 1), :]
            return sup + jax.lax.dot(kj, s,
                                     preferred_element_type=jnp.float32)

        sup = lax.fori_loop(0, i, prev, jnp.zeros((1, _BS), jnp.float32))
        base = (sup == 0.0).astype(jnp.float32)

        m = iou_tile(i, bx1, by1, bx2, by2, barea)
        subl = lax.broadcasted_iota(jnp.int32, (_BS, _BS), 0)
        lanel = lax.broadcasted_iota(jnp.int32, (_BS, _BS), 1)
        m = m * (subl < lanel).astype(jnp.float32)

        def in_cond(st):
            k_old, k = st
            return jnp.any(k_old != k)

        def in_body(st):
            _, k = st
            sup_in = jax.lax.dot(k, m, preferred_element_type=jnp.float32)
            k_new = base * (sup_in == 0.0).astype(jnp.float32)
            return k, k_new

        k0 = base
        k1 = base * (jax.lax.dot(k0, m,
                                 preferred_element_type=jnp.float32)
                     == 0.0).astype(jnp.float32)
        _, kf = lax.while_loop(in_cond, in_body, (k0, k1))
        keep_ref[pl.ds(i, 1), :] = kf
        return carry

    lax.fori_loop(0, _NBS, block_step, jnp.zeros((1, 1), jnp.float32))


def _post_kernel(keep_ref, boosted_ref, ids_ref, dorm_ref,
                 fs_ref, fid_ref, keepo_ref, resume_ref):
    keep = keep_ref[...] > 0.5
    boosted = boosted_ref[...]
    ids = ids_ref[...]

    s = jnp.where(boosted >= 2.0, boosted - 2.0, boosted)
    s = jnp.where(s >= 1.0, s - 1.0, s)

    valid = lax.broadcasted_iota(jnp.int32, (_NB, _B), 0) * _B + \
        lax.broadcasted_iota(jnp.int32, (_NB, _B), 1) < _N
    start = keep & (ids < 0) & (s >= _START_THRESH) & valid
    startf = start.astype(jnp.float32)

    subl = lax.broadcasted_iota(jnp.int32, (_B, _B), 0)
    lanel = lax.broadcasted_iota(jnp.int32, (_B, _B), 1)
    upper = (subl <= lanel).astype(jnp.float32)
    rowcum = jax.lax.dot(startf, upper,
                         preferred_element_type=jnp.float32)
    totals = rowcum[:, _B - 1:_B]
    rsub = lax.broadcasted_iota(jnp.int32, (_NB, _NB), 0)
    rlan = lax.broadcasted_iota(jnp.int32, (_NB, _NB), 1)
    lower = (rlan < rsub).astype(jnp.float32)
    offs = jax.lax.dot(lower, totals,
                       preferred_element_type=jnp.float32)
    cum = rowcum + offs

    new_ids = (_NEXT_ID - 1 + cum).astype(jnp.int32)
    ids2 = jnp.where(start, new_ids, ids)

    inactive = keep & (ids2 >= 0) & (s < _TRACK_THRESH)

    dormf = (ids[None, :, :] == dorm_ref[...]).astype(jnp.float32).sum(axis=0)
    resume = keep & (dormf > 0.0) & (s >= _RESUME_THRESH)

    fs_ref[...] = s * keep.astype(jnp.float32)
    fid_ref[...] = jnp.where(inactive, -1, ids2)
    keepo_ref[...] = keep.astype(jnp.int32)
    resume_ref[...] = resume.astype(jnp.int32)


@jax.jit
def kernel(boxes, scores, ids, active_ids, dormant_ids):
    ids = ids.astype(jnp.int32)
    pad = _NP - _N
    ids_p = jnp.pad(ids, (0, pad), constant_values=-1).reshape(_NB, _B)
    scores_p = jnp.pad(scores, (0, pad)).reshape(_NB, _B)
    act = active_ids.astype(jnp.int32).reshape(-1, 1, 1)
    dorm = dormant_ids.astype(jnp.int32).reshape(-1, 1, 1)

    boost = pl.pallas_call(
        _boost_kernel,
        out_shape=jax.ShapeDtypeStruct((_NB, _B), jnp.float32),
        in_specs=[pl.BlockSpec(memory_space=pltpu.VMEM),
                  pl.BlockSpec(memory_space=pltpu.VMEM)],
        out_specs=pl.BlockSpec(memory_space=pltpu.VMEM),
    )(ids_p, act)

    boosted = scores_p + boost
    boosted_flat = boosted.reshape(_NP)
    sort_key = jnp.where(jnp.arange(_NP) < _N, boosted_flat, -jnp.inf)
    order = jnp.argsort(-sort_key, stable=True)

    boxes_p = jnp.pad(boxes, ((0, pad), (0, 0)))
    boxes16 = jnp.pad(boxes_p, ((0, 0), (0, _SC_D - 4)))
    sb = _sc_gather(boxes16, order)
    sx1 = sb[:, 0].reshape(_NBS, _BS)
    sy1 = sb[:, 1].reshape(_NBS, _BS)
    sx2 = sb[:, 2].reshape(_NBS, _BS)
    sy2 = sb[:, 3].reshape(_NBS, _BS)

    keep_sorted = pl.pallas_call(
        _nms_kernel,
        out_shape=jax.ShapeDtypeStruct((_NBS, _BS), jnp.float32),
        in_specs=[pl.BlockSpec(memory_space=pltpu.VMEM)] * 8,
        out_specs=pl.BlockSpec(memory_space=pltpu.VMEM),
    )(sx1, sy1, sx2, sy2,
      sx1[:, :, None], sy1[:, :, None], sx2[:, :, None], sy2[:, :, None])

    keep16 = jnp.broadcast_to(keep_sorted.reshape(_NP, 1), (_NP, _SC_D))
    keep_scat = _sc_scatter(keep16, order)
    keep_orig = keep_scat[:, 0].reshape(_NB, _B)

    fs, fid, keepo, resume = pl.pallas_call(
        _post_kernel,
        out_shape=(jax.ShapeDtypeStruct((_NB, _B), jnp.float32),
                   jax.ShapeDtypeStruct((_NB, _B), jnp.int32),
                   jax.ShapeDtypeStruct((_NB, _B), jnp.int32),
                   jax.ShapeDtypeStruct((_NB, _B), jnp.int32)),
        in_specs=[pl.BlockSpec(memory_space=pltpu.VMEM)] * 4,
        out_specs=(pl.BlockSpec(memory_space=pltpu.VMEM),) * 4,
    )(keep_orig, boosted, ids_p, dorm)

    fs = fs.reshape(_NP)[:_N]
    fid = fid.reshape(_NP)[:_N]
    keepo = keepo.reshape(_NP)[:_N] > 0
    resume = resume.reshape(_NP)[:_N] > 0
    return fs, fid, keepo, resume

# --- scband reference (transcript-rebuilt; emitter-appended) ---
"""Pipeline reference for scband-track-solver-77249281786344 (READ-ONLY COPY).

The authoritative reference and input builder live on the scoring server;
editing this copy changes nothing except your own understanding.
"""

import jax, jax.numpy as jnp
import numpy as np
from jax import lax

TRACK_THRESH = 0.3
START_THRESH = 0.5
RESUME_THRESH = 0.4
NMS_THRESH = 0.5
NEXT_ID = 1000
N = 5000


def setup_inputs(seed: int = 0) -> dict:
    key = jax.random.key(seed)
    k1, k2, k3, k4, k5, k6 = jax.random.split(key, 6)
    xy = jax.random.uniform(k1, (N, 2), dtype=jnp.float32) * 900.0
    wh = jax.random.uniform(k2, (N, 2), dtype=jnp.float32) * 100.0 + 1.0
    boxes = jnp.concatenate([xy, xy + wh], axis=1)
    scores = jax.random.uniform(k3, (N,), dtype=jnp.float32)
    # ids: -1 means fresh detection, >=0 means propagated track box
    ids = jax.random.randint(k4, (N,), -1, 600)
    active_ids = jax.random.randint(k5, (200,), 0, 600)
    dormant_ids = jax.random.randint(k6, (100,), 0, 600)
    return {"boxes": boxes, "scores": scores, "ids": ids,
            "active_ids": active_ids, "dormant_ids": dormant_ids}


def _nms_keep(boxes, scores, thresh):
    n = boxes.shape[0]
    order = jnp.argsort(-scores)
    b = boxes[order]
    x1, y1, x2, y2 = b[:, 0], b[:, 1], b[:, 2], b[:, 3]
    areas = (x2 - x1) * (y2 - y1)
    idx = jnp.arange(n)

    def body(keep, i):
        xx1 = jnp.maximum(x1[i], x1)
        yy1 = jnp.maximum(y1[i], y1)
        xx2 = jnp.minimum(x2[i], x2)
        yy2 = jnp.minimum(y2[i], y2)
        w = jnp.maximum(xx2 - xx1, 0.0)
        h = jnp.maximum(yy2 - yy1, 0.0)
        inter = w * h
        iou = inter / (areas[i] + areas - inter + 1e-9)
        suppress = (iou > thresh) & (idx > i) & keep[i]
        return keep & (~suppress), None

    keep_sorted, _ = lax.scan(body, jnp.ones((n,), dtype=bool), jnp.arange(n))
    # map back to original box order
    return jnp.zeros((n,), dtype=bool).at[order].set(keep_sorted)


def reference(boxes, scores, ids, active_ids, dormant_ids):
    # boost scores of boxes propagated from active tracks (score += 1)
    active_mask = ((ids[:, None] == active_ids[None, :]).any(axis=1)) & (ids >= 0)
    boosted = scores + active_mask.astype(scores.dtype)
    # greedy NMS at IoU 0.5 (keep mask, shapes static)
    keep = _nms_keep(boxes, boosted, NMS_THRESH)
    # undo score offsets: >=2 -> -2, then >=1 -> -1
    s = jnp.where(boosted >= 2.0, boosted - 2.0, boosted)
    s = jnp.where(s >= 1.0, s - 1.0, s)
    # start new tracks for strong unmatched detections
    start_mask = keep & (ids < 0) & (s >= START_THRESH)
    new_ids = NEXT_ID + jnp.cumsum(start_mask.astype(ids.dtype)) - 1
    ids2 = jnp.where(start_mask, new_ids, ids)
    # suspend weak tracked boxes
    inactive_mask = keep & (ids2 >= 0) & (s < TRACK_THRESH)
    # resume dormant tracks with strong evidence
    dormant_mask = ((ids2[:, None] == dormant_ids[None, :]).any(axis=1)) & (ids2 >= 0)
    resume_mask = keep & dormant_mask & (s >= RESUME_THRESH)
    final_ids = jnp.where(inactive_mask, -1, ids2)
    final_scores = s * keep.astype(s.dtype)
    return final_scores, final_ids, keep, resume_mask

if __name__ == "__main__":
    import jax
    _d = setup_inputs()
    print(jax.jit(kernel)(*tuple(_d.values())))

</pallas_src>

<mosaic_0001>
#map = affine_map<(d0, d1) -> (0, 0)>
#map1 = affine_map<(d0, d1) -> (0)>
module attributes {stable_mosaic.version = 14 : i64} {
  func.func @_sc_gather(%arg0: i32, %arg1: i32, %arg2: memref<5120x128xf32, #tpu.memory_space<hbm>>, %arg3: memref<5120xi32, #tpu.memory_space<hbm>>, %arg4: memref<5120x128xf32, #tpu.memory_space<hbm>>, %arg5: memref<80xi32, #tpu.memory_space<vmem>>, %arg6: memref<80x128xf32, #tpu.memory_space<vmem>>, %arg7: memref<!tpu.dma_semaphore, #tpu.memory_space<semaphore_mem>>) attributes {dimension_semantics = [#tpu.dimension_semantics<core_parallel>, #tpu.dimension_semantics<subcore_parallel>], iteration_bounds = array<i64: 2, 16>, scalar_prefetch = 0 : i64, scratch_operands = 3 : i64, tpu.core_type = #tpu.core_type<sc_vector_subcore>, window_params = [{transform_indices = #map}, {transform_indices = #map1}, {transform_indices = #map}]} {
    %mul3A = arith.constant 2 : i32
    %mul3A_0 = arith.muli %arg1, %mul3A : i32
    %add3A = arith.addi %mul3A_0, %arg0 : i32
    %mul3A_1 = arith.constant 160 : i32
    %mul3A_2 = arith.muli %add3A, %mul3A_1 : i32
    %add3A_3 = arith.constant 0 : i32
    %add3A_4 = arith.addi %mul3A_2, %add3A_3 : i32
    "tpu.region"() ({
      %run_scoped3A = tpu.sem_alloc : memref<!tpu.dma_semaphore, #tpu.memory_space<semaphore_mem>>
      %dma_start3A_19 = tpu.memref_slice %arg3[%add3A_4] : memref<5120xi32, #tpu.memory_space<hbm>> -> memref<80xi32, #tpu.memory_space<hbm>>
      %dma_start3A_20 = tpu.memref_slice %arg3[%add3A_4] : memref<5120xi32, #tpu.memory_space<hbm>> -> memref<80xi32, #tpu.memory_space<hbm>>
      tpu.enqueue_dma source(%dma_start3A_20 : memref<80xi32, #tpu.memory_space<hbm>>) target(%arg5 : memref<80xi32, #tpu.memory_space<vmem>>) target_semaphore(%run_scoped3A : memref<!tpu.dma_semaphore, #tpu.memory_space<semaphore_mem>>)
      %dma_wait3A_21 = tpu.memref_slice %arg3[%add3A_4] : memref<5120xi32, #tpu.memory_space<hbm>> -> memref<80xi32, #tpu.memory_space<hbm>>
      %dma_wait3A_22 = tpu.memref_slice %arg3[%add3A_4] : memref<5120xi32, #tpu.memory_space<hbm>> -> memref<80xi32, #tpu.memory_space<hbm>>
      tpu.wait_dma2 semaphore(%run_scoped3A : memref<!tpu.dma_semaphore, #tpu.memory_space<semaphore_mem>>) src(%dma_wait3A_22 : memref<80xi32, #tpu.memory_space<hbm>>) dst(%arg5 : memref<80xi32, #tpu.memory_space<vmem>>)
      tpu.yield
    }) : () -> ()
    %dma_start3A = arith.constant 0 : i32
    %dma_start3A_5 = arith.constant 0 : i32
    %dma_start3A_6 = tpu.memref_slice %arg2[%dma_start3A, %dma_start3A_5] : memref<5120x128xf32, #tpu.memory_space<hbm>> -> memref<5120x128xf32, #tpu.memory_space<hbm>>
    tpu.enqueue_indirect_dma source(%dma_start3A_6 : memref<5120x128xf32, #tpu.memory_space<hbm>>) target(%arg6 : memref<80x128xf32, #tpu.memory_space<vmem>>) offsets(%arg5 : memref<80xi32, #tpu.memory_space<vmem>>) semaphore(%arg7 : memref<!tpu.dma_semaphore, #tpu.memory_space<semaphore_mem>>)
    %dma_wait3A = arith.constant 0 : i32
    %dma_wait3A_7 = arith.constant 0 : i32
    %dma_wait3A_8 = tpu.memref_slice %arg2[%dma_wait3A, %dma_wait3A_7] : memref<5120x128xf32, #tpu.memory_space<hbm>> -> memref<5120x128xf32, #tpu.memory_space<hbm>>
    tpu.wait_indirect_dma semaphore(%arg7 : memref<!tpu.dma_semaphore, #tpu.memory_space<semaphore_mem>>) src(%dma_wait3A_8 : memref<5120x128xf32, #tpu.memory_space<hbm>>) dst(%arg6 : memref<80x128xf32, #tpu.memory_space<vmem>>)
    "tpu.region"() ({
      %run_scoped3A = tpu.sem_alloc : memref<!tpu.dma_semaphore, #tpu.memory_space<semaphore_mem>>
      %dma_start3A_19 = arith.constant 0 : i32
      %dma_start3A_20 = tpu.memref_slice %arg4[%add3A_4, %dma_start3A_19] : memref<5120x128xf32, #tpu.memory_space<hbm>> -> memref<80x128xf32, #tpu.memory_space<hbm>>
      %dma_start3A_21 = arith.constant 0 : i32
      %dma_start3A_22 = tpu.memref_slice %arg4[%add3A_4, %dma_start3A_21] : memref<5120x128xf32, #tpu.memory_space<hbm>> -> memref<80x128xf32, #tpu.memory_space<hbm>>
      tpu.enqueue_dma source(%arg6 : memref<80x128xf32, #tpu.memory_space<vmem>>) target(%dma_start3A_22 : memref<80x128xf32, #tpu.memory_space<hbm>>) target_semaphore(%run_scoped3A : memref<!tpu.dma_semaphore, #tpu.memory_space<semaphore_mem>>)
      %dma_wait3A_23 = arith.constant 0 : i32
      %dma_wait3A_24 = tpu.memref_slice %arg4[%add3A_4, %dma_wait3A_23] : memref<5120x128xf32, #tpu.memory_space<hbm>> -> memref<80x128xf32, #tpu.memory_space<hbm>>
      %dma_wait3A_25 = arith.constant 0 : i32
      %dma_wait3A_26 = tpu.memref_slice %arg4[%add3A_4, %dma_wait3A_25] : memref<5120x128xf32, #tpu.memory_space<hbm>> -> memref<80x128xf32, #tpu.memory_space<hbm>>
      tpu.wait_dma2 semaphore(%run_scoped3A : memref<!tpu.dma_semaphore, #tpu.memory_space<semaphore_mem>>) src(%arg6 : memref<80x128xf32, #tpu.memory_space<vmem>>) dst(%dma_wait3A_26 : memref<80x128xf32, #tpu.memory_space<hbm>>)
      tpu.yield
    }) : () -> ()
    %mul3A_9 = arith.constant 160 : i32
    %mul3A_10 = arith.muli %add3A, %mul3A_9 : i32
    %add3A_11 = arith.constant 80 : i32
    %add3A_12 = arith.addi %mul3A_10, %add3A_11 : i32
    "tpu.region"() ({
      %run_scoped3A = tpu.sem_alloc : memref<!tpu.dma_semaphore, #tpu.memory_space<semaphore_mem>>
      %dma_start3A_19 = tpu.memref_slice %arg3[%add3A_12] : memref<5120xi32, #tpu.memory_space<hbm>> -> memref<80xi32, #tpu.memory_space<hbm>>
      %dma_start3A_20 = tpu.memref_slice %arg3[%add3A_12] : memref<5120xi32, #tpu.memory_space<hbm>> -> memref<80xi32, #tpu.memory_space<hbm>>
      tpu.enqueue_dma source(%dma_start3A_20 : memref<80xi32, #tpu.memory_space<hbm>>) target(%arg5 : memref<80xi32, #tpu.memory_space<vmem>>) target_semaphore(%run_scoped3A : memref<!tpu.dma_semaphore, #tpu.memory_space<semaphore_mem>>)
      %dma_wait3A_21 = tpu.memref_slice %arg3[%add3A_12] : memref<5120xi32, #tpu.memory_space<hbm>> -> memref<80xi32, #tpu.memory_space<hbm>>
      %dma_wait3A_22 = tpu.memref_slice %arg3[%add3A_12] : memref<5120xi32, #tpu.memory_space<hbm>> -> memref<80xi32, #tpu.memory_space<hbm>>
      tpu.wait_dma2 semaphore(%run_scoped3A : memref<!tpu.dma_semaphore, #tpu.memory_space<semaphore_mem>>) src(%dma_wait3A_22 : memref<80xi32, #tpu.memory_space<hbm>>) dst(%arg5 : memref<80xi32, #tpu.memory_space<vmem>>)
      tpu.yield
    }) : () -> ()
    %dma_start3A_13 = arith.constant 0 : i32
    %dma_start3A_14 = arith.constant 0 : i32
    %dma_start3A_15 = tpu.memref_slice %arg2[%dma_start3A_13, %dma_start3A_14] : memref<5120x128xf32, #tpu.memory_space<hbm>> -> memref<5120x128xf32, #tpu.memory_space<hbm>>
    tpu.enqueue_indirect_dma source(%dma_start3A_15 : memref<5120x128xf32, #tpu.memory_space<hbm>>) target(%arg6 : memref<80x128xf32, #tpu.memory_space<vmem>>) offsets(%arg5 : memref<80xi32, #tpu.memory_space<vmem>>) semaphore(%arg7 : memref<!tpu.dma_semaphore, #tpu.memory_space<semaphore_mem>>)
    %dma_wait3A_16 = arith.constant 0 : i32
    %dma_wait3A_17 = arith.constant 0 : i32
    %dma_wait3A_18 = tpu.memref_slice %arg2[%dma_wait3A_16, %dma_wait3A_17] : memref<5120x128xf32, #tpu.memory_space<hbm>> -> memref<5120x128xf32, #tpu.memory_space<hbm>>
    tpu.wait_indirect_dma semaphore(%arg7 : memref<!tpu.dma_semaphore, #tpu.memory_space<semaphore_mem>>) src(%dma_wait3A_18 : memref<5120x128xf32, #tpu.memory_space<hbm>>) dst(%arg6 : memref<80x128xf32, #tpu.memory_space<vmem>>)
    "tpu.region"() ({
      %run_scoped3A = tpu.sem_alloc : memref<!tpu.dma_semaphore, #tpu.memory_space<semaphore_mem>>
      %dma_start3A_19 = arith.constant 0 : i32
      %dma_start3A_20 = tpu.memref_slice %arg4[%add3A_12, %dma_start3A_19] : memref<5120x128xf32, #tpu.memory_space<hbm>> -> memref<80x128xf32, #tpu.memory_space<hbm>>
      %dma_start3A_21 = arith.constant 0 : i32
      %dma_start3A_22 = tpu.memref_slice %arg4[%add3A_12, %dma_start3A_21] : memref<5120x128xf32, #tpu.memory_space<hbm>> -> memref<80x128xf32, #tpu.memory_space<hbm>>
      tpu.enqueue_dma source(%arg6 : memref<80x128xf32, #tpu.memory_space<vmem>>) target(%dma_start3A_22 : memref<80x128xf32, #tpu.memory_space<hbm>>) target_semaphore(%run_scoped3A : memref<!tpu.dma_semaphore, #tpu.memory_space<semaphore_mem>>)
      %dma_wait3A_23 = arith.constant 0 : i32
      %dma_wait3A_24 = tpu.memref_slice %arg4[%add3A_12, %dma_wait3A_23] : memref<5120x128xf32, #tpu.memory_space<hbm>> -> memref<80x128xf32, #tpu.memory_space<hbm>>
      %dma_wait3A_25 = arith.constant 0 : i32
      %dma_wait3A_26 = tpu.memref_slice %arg4[%add3A_12, %dma_wait3A_25] : memref<5120x128xf32, #tpu.memory_space<hbm>> -> memref<80x128xf32, #tpu.memory_space<hbm>>
      tpu.wait_dma2 semaphore(%run_scoped3A : memref<!tpu.dma_semaphore, #tpu.memory_space<semaphore_mem>>) src(%arg6 : memref<80x128xf32, #tpu.memory_space<vmem>>) dst(%dma_wait3A_26 : memref<80x128xf32, #tpu.memory_space<hbm>>)
      tpu.yield
    }) : () -> ()
    return
  }
}

#map = affine_map<(d0, d1) -> (0, 0)>
#map1 = affine_map<(d0, d1) -> (0)>
module attributes {stable_mosaic.version = 14 : i64} {
  func.func @_sc_scatter(%arg0: i32, %arg1: i32, %arg2: memref<5120x128xf32, #tpu.memory_space<hbm>>, %arg3: memref<5120xi32, #tpu.memory_space<hbm>>, %arg4: memref<5120x128xf32, #tpu.memory_space<hbm>>, %arg5: memref<80xi32, #tpu.memory_space<vmem>>, %arg6: memref<80x128xf32, #tpu.memory_space<vmem>>, %arg7: memref<!tpu.dma_semaphore, #tpu.memory_space<semaphore_mem>>) attributes {dimension_semantics = [#tpu.dimension_semantics<core_parallel>, #tpu.dimension_semantics<subcore_parallel>], iteration_bounds = array<i64: 2, 16>, scalar_prefetch = 0 : i64, scratch_operands = 3 : i64, tpu.core_type = #tpu.core_type<sc_vector_subcore>, window_params = [{transform_indices = #map}, {transform_indices = #map1}, {transform_indices = #map}]} {
    %mul3A = arith.constant 2 : i32
    %mul3A_0 = arith.muli %arg1, %mul3A : i32
    %add3A = arith.addi %mul3A_0, %arg0 : i32
    %mul3A_1 = arith.constant 160 : i32
    %mul3A_2 = arith.muli %add3A, %mul3A_1 : i32
    %add3A_3 = arith.constant 0 : i32
    %add3A_4 = arith.addi %mul3A_2, %add3A_3 : i32
    "tpu.region"() ({
      %run_scoped3A = tpu.sem_alloc : memref<!tpu.dma_semaphore, #tpu.memory_space<semaphore_mem>>
      %dma_start3A_19 = tpu.memref_slice %arg3[%add3A_4] : memref<5120xi32, #tpu.memory_space<hbm>> -> memref<80xi32, #tpu.memory_space<hbm>>
      %dma_start3A_20 = tpu.memref_slice %arg3[%add3A_4] : memref<5120xi32, #tpu.memory_space<hbm>> -> memref<80xi32, #tpu.memory_space<hbm>>
      tpu.enqueue_dma source(%dma_start3A_20 : memref<80xi32, #tpu.memory_space<hbm>>) target(%arg5 : memref<80xi32, #tpu.memory_space<vmem>>) target_semaphore(%run_scoped3A : memref<!tpu.dma_semaphore, #tpu.memory_space<semaphore_mem>>)
      %dma_wait3A_21 = tpu.memref_slice %arg3[%add3A_4] : memref<5120xi32, #tpu.memory_space<hbm>> -> memref<80xi32, #tpu.memory_space<hbm>>
      %dma_wait3A_22 = tpu.memref_slice %arg3[%add3A_4] : memref<5120xi32, #tpu.memory_space<hbm>> -> memref<80xi32, #tpu.memory_space<hbm>>
      tpu.wait_dma2 semaphore(%run_scoped3A : memref<!tpu.dma_semaphore, #tpu.memory_space<semaphore_mem>>) src(%dma_wait3A_22 : memref<80xi32, #tpu.memory_space<hbm>>) dst(%arg5 : memref<80xi32, #tpu.memory_space<vmem>>)
      tpu.yield
    }) : () -> ()
    "tpu.region"() ({
      %run_scoped3A = tpu.sem_alloc : memref<!tpu.dma_semaphore, #tpu.memory_space<semaphore_mem>>
      %dma_start3A_19 = arith.constant 0 : i32
      %dma_start3A_20 = tpu.memref_slice %arg2[%add3A_4, %dma_start3A_19] : memref<5120x128xf32, #tpu.memory_space<hbm>> -> memref<80x128xf32, #tpu.memory_space<hbm>>
      %dma_start3A_21 = arith.constant 0 : i32
      %dma_start3A_22 = tpu.memref_slice %arg2[%add3A_4, %dma_start3A_21] : memref<5120x128xf32, #tpu.memory_space<hbm>> -> memref<80x128xf32, #tpu.memory_space<hbm>>
      tpu.enqueue_dma source(%dma_start3A_22 : memref<80x128xf32, #tpu.memory_space<hbm>>) target(%arg6 : memref<80x128xf32, #tpu.memory_space<vmem>>) target_semaphore(%run_scoped3A : memref<!tpu.dma_semaphore, #tpu.memory_space<semaphore_mem>>)
      %dma_wait3A_23 = arith.constant 0 : i32
      %dma_wait3A_24 = tpu.memref_slice %arg2[%add3A_4, %dma_wait3A_23] : memref<5120x128xf32, #tpu.memory_space<hbm>> -> memref<80x128xf32, #tpu.memory_space<hbm>>
      %dma_wait3A_25 = arith.constant 0 : i32
      %dma_wait3A_26 = tpu.memref_slice %arg2[%add3A_4, %dma_wait3A_25] : memref<5120x128xf32, #tpu.memory_space<hbm>> -> memref<80x128xf32, #tpu.memory_space<hbm>>
      tpu.wait_dma2 semaphore(%run_scoped3A : memref<!tpu.dma_semaphore, #tpu.memory_space<semaphore_mem>>) src(%dma_wait3A_26 : memref<80x128xf32, #tpu.memory_space<hbm>>) dst(%arg6 : memref<80x128xf32, #tpu.memory_space<vmem>>)
      tpu.yield
    }) : () -> ()
    %dma_start3A = arith.constant 0 : i32
    %dma_start3A_5 = arith.constant 0 : i32
    %dma_start3A_6 = tpu.memref_slice %arg4[%dma_start3A, %dma_start3A_5] : memref<5120x128xf32, #tpu.memory_space<hbm>> -> memref<5120x128xf32, #tpu.memory_space<hbm>>
    tpu.enqueue_indirect_dma source(%arg6 : memref<80x128xf32, #tpu.memory_space<vmem>>) target(%dma_start3A_6 : memref<5120x128xf32, #tpu.memory_space<hbm>>) offsets(%arg5 : memref<80xi32, #tpu.memory_space<vmem>>) semaphore(%arg7 : memref<!tpu.dma_semaphore, #tpu.memory_space<semaphore_mem>>)
    %dma_wait3A = arith.constant 0 : i32
    %dma_wait3A_7 = arith.constant 0 : i32
    %dma_wait3A_8 = tpu.memref_slice %arg4[%dma_wait3A, %dma_wait3A_7] : memref<5120x128xf32, #tpu.memory_space<hbm>> -> memref<5120x128xf32, #tpu.memory_space<hbm>>
    tpu.wait_indirect_dma semaphore(%arg7 : memref<!tpu.dma_semaphore, #tpu.memory_space<semaphore_mem>>) src(%arg6 : memref<80x128xf32, #tpu.memory_space<vmem>>) dst(%dma_wait3A_8 : memref<5120x128xf32, #tpu.memory_space<hbm>>)
    %mul3A_9 = arith.constant 160 : i32
    %mul3A_10 = arith.muli %add3A, %mul3A_9 : i32
    %add3A_11 = arith.constant 80 : i32
    %add3A_12 = arith.addi %mul3A_10, %add3A_11 : i32
    "tpu.region"() ({
      %run_scoped3A = tpu.sem_alloc : memref<!tpu.dma_semaphore, #tpu.memory_space<semaphore_mem>>
      %dma_start3A_19 = tpu.memref_slice %arg3[%add3A_12] : memref<5120xi32, #tpu.memory_space<hbm>> -> memref<80xi32, #tpu.memory_space<hbm>>
      %dma_start3A_20 = tpu.memref_slice %arg3[%add3A_12] : memref<5120xi32, #tpu.memory_space<hbm>> -> memref<80xi32, #tpu.memory_space<hbm>>
      tpu.enqueue_dma source(%dma_start3A_20 : memref<80xi32, #tpu.memory_space<hbm>>) target(%arg5 : memref<80xi32, #tpu.memory_space<vmem>>) target_semaphore(%run_scoped3A : memref<!tpu.dma_semaphore, #tpu.memory_space<semaphore_mem>>)
      %dma_wait3A_21 = tpu.memref_slice %arg3[%add3A_12] : memref<5120xi32, #tpu.memory_space<hbm>> -> memref<80xi32, #tpu.memory_space<hbm>>
      %dma_wait3A_22 = tpu.memref_slice %arg3[%add3A_12] : memref<5120xi32, #tpu.memory_space<hbm>> -> memref<80xi32, #tpu.memory_space<hbm>>
      tpu.wait_dma2 semaphore(%run_scoped3A : memref<!tpu.dma_semaphore, #tpu.memory_space<semaphore_mem>>) src(%dma_wait3A_22 : memref<80xi32, #tpu.memory_space<hbm>>) dst(%arg5 : memref<80xi32, #tpu.memory_space<vmem>>)
      tpu.yield
    }) : () -> ()
    "tpu.region"() ({
      %run_scoped3A = tpu.sem_alloc : memref<!tpu.dma_semaphore, #tpu.memory_space<semaphore_mem>>
      %dma_start3A_19 = arith.constant 0 : i32
      %dma_start3A_20 = tpu.memref_slice %arg2[%add3A_12, %dma_start3A_19] : memref<5120x128xf32, #tpu.memory_space<hbm>> -> memref<80x128xf32, #tpu.memory_space<hbm>>
      %dma_start3A_21 = arith.constant 0 : i32
      %dma_start3A_22 = tpu.memref_slice %arg2[%add3A_12, %dma_start3A_21] : memref<5120x128xf32, #tpu.memory_space<hbm>> -> memref<80x128xf32, #tpu.memory_space<hbm>>
      tpu.enqueue_dma source(%dma_start3A_22 : memref<80x128xf32, #tpu.memory_space<hbm>>) target(%arg6 : memref<80x128xf32, #tpu.memory_space<vmem>>) target_semaphore(%run_scoped3A : memref<!tpu.dma_semaphore, #tpu.memory_space<semaphore_mem>>)
      %dma_wait3A_23 = arith.constant 0 : i32
      %dma_wait3A_24 = tpu.memref_slice %arg2[%add3A_12, %dma_wait3A_23] : memref<5120x128xf32, #tpu.memory_space<hbm>> -> memref<80x128xf32, #tpu.memory_space<hbm>>
      %dma_wait3A_25 = arith.constant 0 : i32
      %dma_wait3A_26 = tpu.memref_slice %arg2[%add3A_12, %dma_wait3A_25] : memref<5120x128xf32, #tpu.memory_space<hbm>> -> memref<80x128xf32, #tpu.memory_space<hbm>>
      tpu.wait_dma2 semaphore(%run_scoped3A : memref<!tpu.dma_semaphore, #tpu.memory_space<semaphore_mem>>) src(%dma_wait3A_26 : memref<80x128xf32, #tpu.memory_space<hbm>>) dst(%arg6 : memref<80x128xf32, #tpu.memory_space<vmem>>)
      tpu.yield
    }) : () -> ()
    %dma_start3A_13 = arith.constant 0 : i32
    %dma_start3A_14 = arith.constant 0 : i32
    %dma_start3A_15 = tpu.memref_slice %arg4[%dma_start3A_13, %dma_start3A_14] : memref<5120x128xf32, #tpu.memory_space<hbm>> -> memref<5120x128xf32, #tpu.memory_space<hbm>>
    tpu.enqueue_indirect_dma source(%arg6 : memref<80x128xf32, #tpu.memory_space<vmem>>) target(%dma_start3A_15 : memref<5120x128xf32, #tpu.memory_space<hbm>>) offsets(%arg5 : memref<80xi32, #tpu.memory_space<vmem>>) semaphore(%arg7 : memref<!tpu.dma_semaphore, #tpu.memory_space<semaphore_mem>>)
    %dma_wait3A_16 = arith.constant 0 : i32
    %dma_wait3A_17 = arith.constant 0 : i32
    %dma_wait3A_18 = tpu.memref_slice %arg4[%dma_wait3A_16, %dma_wait3A_17] : memref<5120x128xf32, #tpu.memory_space<hbm>> -> memref<5120x128xf32, #tpu.memory_space<hbm>>
    tpu.wait_indirect_dma semaphore(%arg7 : memref<!tpu.dma_semaphore, #tpu.memory_space<semaphore_mem>>) src(%arg6 : memref<80x128xf32, #tpu.memory_space<vmem>>) dst(%dma_wait3A_18 : memref<5120x128xf32, #tpu.memory_space<hbm>>)
    return
  }
}

module attributes {stable_mosaic.version = 14 : i64} {
  func.func @_boost_kernel(%arg0: memref<40x128xi32, #tpu.memory_space<vmem>>, %arg1: memref<200x1x1xi32, #tpu.memory_space<vmem>>, %arg2: memref<40x128xf32, #tpu.memory_space<vmem>>) attributes {dimension_semantics = [], scalar_prefetch = 0 : i64, scratch_operands = 0 : i64, tpu.core_type = #tpu.core_type<tc>} {
    %get3A = arith.constant 0 : index
    %get3A_0 = arith.constant 0 : index
    %get3A_1 = vector.load %arg0[%get3A, %get3A_0] : memref<40x128xi32, #tpu.memory_space<vmem>>, vector<40x128xi32>
    %get3A_2 = arith.constant 0 : index
    %get3A_3 = arith.constant 0 : index
    %get3A_4 = arith.constant 0 : index
    %get3A_5 = vector.load %arg1[%get3A_2, %get3A_3, %get3A_4] : memref<200x1x1xi32, #tpu.memory_space<vmem>>, vector<200x1x1xi32>
    %broadcast_in_dim3A = vector.shape_cast %get3A_1 : vector<40x128xi32> to vector<1x40x128xi32>
    %eq3A = vector.broadcast %broadcast_in_dim3A : vector<1x40x128xi32> to vector<200x40x128xi32>
    %eq3A_6 = vector.broadcast %get3A_5 : vector<200x1x1xi32> to vector<200x40x128xi32>
    %eq3A_7 = arith.cmpi eq, %eq3A, %eq3A_6 : vector<200x40x128xi32>
    %convert_element_type3A = arith.extui %eq3A_7 : vector<200x40x128xi1> to vector<200x40x128xi32>
    %convert_element_type3A_8 = arith.sitofp %convert_element_type3A : vector<200x40x128xi32> to vector<200x40x128xf32>
    %reduce_sum3A = arith.constant dense<0.000000e+00> : vector<40x128xf32>
    %reduce_sum3A_9 = vector.multi_reduction <add>, %convert_element_type3A_8, %reduce_sum3A [0] : vector<200x40x128xf32> to vector<40x128xf32>
    %gt3A = arith.constant 0.000000e+00 : f32
    %gt3A_10 = vector.broadcast %gt3A : f32 to vector<40x128xf32>
    %gt3A_11 = arith.cmpf ogt, %reduce_sum3A_9, %gt3A_10 : vector<40x128xf32>
    %ge3A = arith.constant 0 : i32
    %ge3A_12 = vector.broadcast %ge3A : i32 to vector<40x128xi32>
    %ge3A_13 = arith.cmpi sge, %get3A_1, %ge3A_12 : vector<40x128xi32>
    %and3A = arith.andi %gt3A_11, %ge3A_13 : vector<40x128xi1>
    %jit3A = arith.constant 1.000000e+00 : f32
    %jit3A_14 = arith.constant 0.000000e+00 : f32
    %broadcast_in_dim3A_15 = vector.broadcast %jit3A : f32 to vector<40x128xf32>
    %broadcast_in_dim3A_16 = vector.broadcast %jit3A_14 : f32 to vector<40x128xf32>
    %select_n3A = arith.select %and3A, %broadcast_in_dim3A_15, %broadcast_in_dim3A_16 : vector<40x128xi1>, vector<40x128xf32>
    %swap3A = arith.constant 0 : index
    %swap3A_17 = arith.constant 0 : index
    %swap3A_18 = vector.load %arg2[%swap3A, %swap3A_17] : memref<40x128xf32, #tpu.memory_space<vmem>>, vector<40x128xf32>
    tpu.vector_store %arg2[%swap3A, %swap3A_17], %select_n3A {strides = array<i32>} : memref<40x128xf32, #tpu.memory_space<vmem>>, vector<40x128xf32>,
    return
  }
}

module attributes {stable_mosaic.version = 14 : i64} {
  func.func @_nms_kernel(%arg0: memref<5x1024xf32, #tpu.memory_space<vmem>>, %arg1: memref<5x1024xf32, #tpu.memory_space<vmem>>, %arg2: memref<5x1024xf32, #tpu.memory_space<vmem>>, %arg3: memref<5x1024xf32, #tpu.memory_space<vmem>>, %arg4: memref<5x1024x1xf32, #tpu.memory_space<vmem>>, %arg5: memref<5x1024x1xf32, #tpu.memory_space<vmem>>, %arg6: memref<5x1024x1xf32, #tpu.memory_space<vmem>>, %arg7: memref<5x1024x1xf32, #tpu.memory_space<vmem>>, %arg8: memref<5x1024xf32, #tpu.memory_space<vmem>>) attributes {dimension_semantics = [], scalar_prefetch = 0 : i64, scratch_operands = 0 : i64, tpu.core_type = #tpu.core_type<tc>} {
    %scan3A = arith.constant 0 : i32
    %scan3A_0 = arith.constant 5 : i32
    %scan3A_1 = arith.addi %scan3A, %scan3A_0 : i32
    %scan3A_2 = arith.constant 1 : i32
    scf.for %scan3A_4 = %scan3A to %scan3A_1 step %scan3A_2  : i32 {
      %get3A = arith.index_cast %scan3A_4 : i32 to index
      %get3A_5 = arith.constant 0 : index
      %get3A_6 = vector.load %arg0[%get3A, %get3A_5] : memref<5x1024xf32, #tpu.memory_space<vmem>>, vector<1x1024xf32>
      %get3A_7 = arith.index_cast %scan3A_4 : i32 to index
      %get3A_8 = arith.constant 0 : index
      %get3A_9 = vector.load %arg1[%get3A_7, %get3A_8] : memref<5x1024xf32, #tpu.memory_space<vmem>>, vector<1x1024xf32>
      %get3A_10 = arith.index_cast %scan3A_4 : i32 to index
      %get3A_11 = arith.constant 0 : index
      %get3A_12 = vector.load %arg2[%get3A_10, %get3A_11] : memref<5x1024xf32, #tpu.memory_space<vmem>>, vector<1x1024xf32>
      %get3A_13 = arith.index_cast %scan3A_4 : i32 to index
      %get3A_14 = arith.constant 0 : index
      %get3A_15 = vector.load %arg3[%get3A_13, %get3A_14] : memref<5x1024xf32, #tpu.memory_space<vmem>>, vector<1x1024xf32>
      %sub3A = arith.subf %get3A_12, %get3A_6 : vector<1x1024xf32>
      %sub3A_16 = arith.subf %get3A_15, %get3A_9 : vector<1x1024xf32>
      %mul3A = arith.mulf %sub3A, %sub3A_16 : vector<1x1024xf32>
      %broadcast_in_dim3A = arith.constant 0.000000e+00 : f32
      %broadcast_in_dim3A_17 = vector.broadcast %broadcast_in_dim3A : f32 to vector<1x1024xf32>
      %while3A = arith.constant 0 : i32
      %while3A_18 = arith.subi %scan3A_4, %while3A : i32
      %while3A_19 = arith.addi %while3A, %while3A_18 : i32
      %while3A_20 = arith.constant 1 : i32
      %while3A_21 = arith.divsi %while3A_18, %while3A_20 : i32
      %while3A_22 = arith.muli %while3A_21, %while3A_20 : i32
      %while3A_23 = arith.addi %while3A, %while3A_22 : i32
      %while3A_24 = arith.constant 1 : i32
      %while3A_25 = scf.for %while3A_96 = %while3A to %while3A_23 step %while3A_24 iter_args(%while3A_97 = %broadcast_in_dim3A_17) -> (vector<1x1024xf32>)  : i32 {
        %get3A_98 = arith.index_cast %while3A_96 : i32 to index
        %get3A_99 = arith.constant 0 : index
        %get3A_100 = arith.constant 0 : index
        %get3A_101 = vector.load %arg4[%get3A_98, %get3A_99, %get3A_100] : memref<5x1024x1xf32, #tpu.memory_space<vmem>>, vector<1x1024x1xf32>
        %reshape3A_102 = vector.shape_cast %get3A_101 : vector<1x1024x1xf32> to vector<1024x1xf32>
        %get3A_103 = arith.index_cast %while3A_96 : i32 to index
        %get3A_104 = arith.constant 0 : index
        %get3A_105 = arith.constant 0 : index
        %get3A_106 = vector.load %arg5[%get3A_103, %get3A_104, %get3A_105] : memref<5x1024x1xf32, #tpu.memory_space<vmem>>, vector<1x1024x1xf32>
        %reshape3A_107 = vector.shape_cast %get3A_106 : vector<1x1024x1xf32> to vector<1024x1xf32>
        %get3A_108 = arith.index_cast %while3A_96 : i32 to index
        %get3A_109 = arith.constant 0 : index
        %get3A_110 = arith.constant 0 : index
        %get3A_111 = vector.load %arg6[%get3A_108, %get3A_109, %get3A_110] : memref<5x1024x1xf32, #tpu.memory_space<vmem>>, vector<1x1024x1xf32>
        %reshape3A_112 = vector.shape_cast %get3A_111 : vector<1x1024x1xf32> to vector<1024x1xf32>
        %get3A_113 = arith.index_cast %while3A_96 : i32 to index
        %get3A_114 = arith.constant 0 : index
        %get3A_115 = arith.constant 0 : index
        %get3A_116 = vector.load %arg7[%get3A_113, %get3A_114, %get3A_115] : memref<5x1024x1xf32, #tpu.memory_space<vmem>>, vector<1x1024x1xf32>
        %reshape3A_117 = vector.shape_cast %get3A_116 : vector<1x1024x1xf32> to vector<1024x1xf32>
        %sub3A_118 = arith.subf %reshape3A_112, %reshape3A_102 : vector<1024x1xf32>
        %sub3A_119 = arith.subf %reshape3A_117, %reshape3A_107 : vector<1024x1xf32>
        %mul3A_120 = arith.mulf %sub3A_118, %sub3A_119 : vector<1024x1xf32>
        %max3A_121 = vector.broadcast %reshape3A_102 : vector<1024x1xf32> to vector<1024x1024xf32>
        %max3A_122 = vector.broadcast %get3A_6 : vector<1x1024xf32> to vector<1024x1024xf32>
        %max3A_123 = arith.maximumf %max3A_121, %max3A_122 : vector<1024x1024xf32>
        %max3A_124 = vector.broadcast %reshape3A_107 : vector<1024x1xf32> to vector<1024x1024xf32>
        %max3A_125 = vector.broadcast %get3A_9 : vector<1x1024xf32> to vector<1024x1024xf32>
        %max3A_126 = arith.maximumf %max3A_124, %max3A_125 : vector<1024x1024xf32>
        %min3A_127 = vector.broadcast %reshape3A_112 : vector<1024x1xf32> to vector<1024x1024xf32>
        %min3A_128 = vector.broadcast %get3A_12 : vector<1x1024xf32> to vector<1024x1024xf32>
        %min3A_129 = arith.minimumf %min3A_127, %min3A_128 : vector<1024x1024xf32>
        %min3A_130 = vector.broadcast %reshape3A_117 : vector<1024x1xf32> to vector<1024x1024xf32>
        %min3A_131 = vector.broadcast %get3A_15 : vector<1x1024xf32> to vector<1024x1024xf32>
        %min3A_132 = arith.minimumf %min3A_130, %min3A_131 : vector<1024x1024xf32>
        %sub3A_133 = arith.subf %min3A_129, %max3A_123 : vector<1024x1024xf32>
        %max3A_134 = arith.constant 0.000000e+00 : f32
        %max3A_135 = vector.broadcast %max3A_134 : f32 to vector<1024x1024xf32>
        %max3A_136 = arith.maximumf %sub3A_133, %max3A_135 : vector<1024x1024xf32>
        %sub3A_137 = arith.subf %min3A_132, %max3A_126 : vector<1024x1024xf32>
        %max3A_138 = arith.constant 0.000000e+00 : f32
        %max3A_139 = vector.broadcast %max3A_138 : f32 to vector<1024x1024xf32>
        %max3A_140 = arith.maximumf %sub3A_137, %max3A_139 : vector<1024x1024xf32>
        %mul3A_141 = arith.mulf %max3A_136, %max3A_140 : vector<1024x1024xf32>
        %add3A_142 = vector.broadcast %mul3A_120 : vector<1024x1xf32> to vector<1024x1024xf32>
        %add3A_143 = vector.broadcast %mul3A : vector<1x1024xf32> to vector<1024x1024xf32>
        %add3A_144 = arith.addf %add3A_142, %add3A_143 : vector<1024x1024xf32>
        %sub3A_145 = arith.subf %add3A_144, %mul3A_141 : vector<1024x1024xf32>
        %add3A_146 = arith.constant 9.99999971E-10 : f32
        %add3A_147 = vector.broadcast %add3A_146 : f32 to vector<1024x1024xf32>
        %add3A_148 = arith.addf %sub3A_145, %add3A_147 : vector<1024x1024xf32>
        %div3A_149 = arith.divf %mul3A_141, %add3A_148 : vector<1024x1024xf32>
        %gt3A_150 = arith.constant 5.000000e-01 : f32
        %gt3A_151 = vector.broadcast %gt3A_150 : f32 to vector<1024x1024xf32>
        %gt3A_152 = arith.cmpf ogt, %div3A_149, %gt3A_151 : vector<1024x1024xf32>
        %convert_element_type3A_153 = arith.extui %gt3A_152 : vector<1024x1024xi1> to vector<1024x1024xi32>
        %convert_element_type3A_154 = arith.sitofp %convert_element_type3A_153 : vector<1024x1024xi32> to vector<1024x1024xf32>
        %get3A_155 = arith.index_cast %while3A_96 : i32 to index
        %get3A_156 = arith.constant 0 : index
        %get3A_157 = vector.load %arg8[%get3A_155, %get3A_156] : memref<5x1024xf32, #tpu.memory_space<vmem>>, vector<1x1024xf32>
        %dot_general3A_158 = arith.constant dense<0.000000e+00> : vector<1x1024xf32>
        %dot_general3A_159 = tpu.matmul %get3A_157, %convert_element_type3A_154, %dot_general3A_158 {dimension_numbers = #tpu.dot_dimension_numbers<[1], [0], [0], [1], [0, 0, 1, 1], [], []>, transpose_lhs_hint = false} : vector<1x1024xf32>, vector<1024x1024xf32>, vector<1x1024xf32> -> vector<1x1024xf32>
        %add3A_160 = arith.addf %while3A_97, %dot_general3A_159 : vector<1x1024xf32>
        scf.yield %add3A_160 : vector<1x1024xf32>
      }
      %while3A_26 = arith.constant 1 : i32
      %while3A_27 = scf.for %while3A_96 = %while3A_23 to %while3A_19 step %while3A_26 iter_args(%while3A_97 = %while3A_25) -> (vector<1x1024xf32>)  : i32 {
        %get3A_98 = arith.index_cast %while3A_96 : i32 to index
        %get3A_99 = arith.constant 0 : index
        %get3A_100 = arith.constant 0 : index
        %get3A_101 = vector.load %arg4[%get3A_98, %get3A_99, %get3A_100] : memref<5x1024x1xf32, #tpu.memory_space<vmem>>, vector<1x1024x1xf32>
        %reshape3A_102 = vector.shape_cast %get3A_101 : vector<1x1024x1xf32> to vector<1024x1xf32>
        %get3A_103 = arith.index_cast %while3A_96 : i32 to index
        %get3A_104 = arith.constant 0 : index
        %get3A_105 = arith.constant 0 : index
        %get3A_106 = vector.load %arg5[%get3A_103, %get3A_104, %get3A_105] : memref<5x1024x1xf32, #tpu.memory_space<vmem>>, vector<1x1024x1xf32>
        %reshape3A_107 = vector.shape_cast %get3A_106 : vector<1x1024x1xf32> to vector<1024x1xf32>
        %get3A_108 = arith.index_cast %while3A_96 : i32 to index
        %get3A_109 = arith.constant 0 : index
        %get3A_110 = arith.constant 0 : index
        %get3A_111 = vector.load %arg6[%get3A_108, %get3A_109, %get3A_110] : memref<5x1024x1xf32, #tpu.memory_space<vmem>>, vector<1x1024x1xf32>
        %reshape3A_112 = vector.shape_cast %get3A_111 : vector<1x1024x1xf32> to vector<1024x1xf32>
        %get3A_113 = arith.index_cast %while3A_96 : i32 to index
        %get3A_114 = arith.constant 0 : index
        %get3A_115 = arith.constant 0 : index
        %get3A_116 = vector.load %arg7[%get3A_113, %get3A_114, %get3A_115] : memref<5x1024x1xf32, #tpu.memory_space<vmem>>, vector<1x1024x1xf32>
        %reshape3A_117 = vector.shape_cast %get3A_116 : vector<1x1024x1xf32> to vector<1024x1xf32>
        %sub3A_118 = arith.subf %reshape3A_112, %reshape3A_102 : vector<1024x1xf32>
        %sub3A_119 = arith.subf %reshape3A_117, %reshape3A_107 : vector<1024x1xf32>
        %mul3A_120 = arith.mulf %sub3A_118, %sub3A_119 : vector<1024x1xf32>
        %max3A_121 = vector.broadcast %reshape3A_102 : vector<1024x1xf32> to vector<1024x1024xf32>
        %max3A_122 = vector.broadcast %get3A_6 : vector<1x1024xf32> to vector<1024x1024xf32>
        %max3A_123 = arith.maximumf %max3A_121, %max3A_122 : vector<1024x1024xf32>
        %max3A_124 = vector.broadcast %reshape3A_107 : vector<1024x1xf32> to vector<1024x1024xf32>
        %max3A_125 = vector.broadcast %get3A_9 : vector<1x1024xf32> to vector<1024x1024xf32>
        %max3A_126 = arith.maximumf %max3A_124, %max3A_125 : vector<1024x1024xf32>
        %min3A_127 = vector.broadcast %reshape3A_112 : vector<1024x1xf32> to vector<1024x1024xf32>
        %min3A_128 = vector.broadcast %get3A_12 : vector<1x1024xf32> to vector<1024x1024xf32>
        %min3A_129 = arith.minimumf %min3A_127, %min3A_128 : vector<1024x1024xf32>
        %min3A_130 = vector.broadcast %reshape3A_117 : vector<1024x1xf32> to vector<1024x1024xf32>
        %min3A_131 = vector.broadcast %get3A_15 : vector<1x1024xf32> to vector<1024x1024xf32>
        %min3A_132 = arith.minimumf %min3A_130, %min3A_131 : vector<1024x1024xf32>
        %sub3A_133 = arith.subf %min3A_129, %max3A_123 : vector<1024x1024xf32>
        %max3A_134 = arith.constant 0.000000e+00 : f32
        %max3A_135 = vector.broadcast %max3A_134 : f32 to vector<1024x1024xf32>
        %max3A_136 = arith.maximumf %sub3A_133, %max3A_135 : vector<1024x1024xf32>
        %sub3A_137 = arith.subf %min3A_132, %max3A_126 : vector<1024x1024xf32>
        %max3A_138 = arith.constant 0.000000e+00 : f32
        %max3A_139 = vector.broadcast %max3A_138 : f32 to vector<1024x1024xf32>
        %max3A_140 = arith.maximumf %sub3A_137, %max3A_139 : vector<1024x1024xf32>
        %mul3A_141 = arith.mulf %max3A_136, %max3A_140 : vector<1024x1024xf32>
        %add3A_142 = vector.broadcast %mul3A_120 : vector<1024x1xf32> to vector<1024x1024xf32>
        %add3A_143 = vector.broadcast %mul3A : vector<1x1024xf32> to vector<1024x1024xf32>
        %add3A_144 = arith.addf %add3A_142, %add3A_143 : vector<1024x1024xf32>
        %sub3A_145 = arith.subf %add3A_144, %mul3A_141 : vector<1024x1024xf32>
        %add3A_146 = arith.constant 9.99999971E-10 : f32
        %add3A_147 = vector.broadcast %add3A_146 : f32 to vector<1024x1024xf32>
        %add3A_148 = arith.addf %sub3A_145, %add3A_147 : vector<1024x1024xf32>
        %div3A_149 = arith.divf %mul3A_141, %add3A_148 : vector<1024x1024xf32>
        %gt3A_150 = arith.constant 5.000000e-01 : f32
        %gt3A_151 = vector.broadcast %gt3A_150 : f32 to vector<1024x1024xf32>
        %gt3A_152 = arith.cmpf ogt, %div3A_149, %gt3A_151 : vector<1024x1024xf32>
        %convert_element_type3A_153 = arith.extui %gt3A_152 : vector<1024x1024xi1> to vector<1024x1024xi32>
        %convert_element_type3A_154 = arith.sitofp %convert_element_type3A_153 : vector<1024x1024xi32> to vector<1024x1024xf32>
        %get3A_155 = arith.index_cast %while3A_96 : i32 to index
        %get3A_156 = arith.constant 0 : index
        %get3A_157 = vector.load %arg8[%get3A_155, %get3A_156] : memref<5x1024xf32, #tpu.memory_space<vmem>>, vector<1x1024xf32>
        %dot_general3A_158 = arith.constant dense<0.000000e+00> : vector<1x1024xf32>
        %dot_general3A_159 = tpu.matmul %get3A_157, %convert_element_type3A_154, %dot_general3A_158 {dimension_numbers = #tpu.dot_dimension_numbers<[1], [0], [0], [1], [0, 0, 1, 1], [], []>, transpose_lhs_hint = false} : vector<1x1024xf32>, vector<1024x1024xf32>, vector<1x1024xf32> -> vector<1x1024xf32>
        %add3A_160 = arith.addf %while3A_97, %dot_general3A_159 : vector<1x1024xf32>
        scf.yield %add3A_160 : vector<1x1024xf32>
      }
      %eq3A = arith.constant 0.000000e+00 : f32
      %eq3A_28 = vector.broadcast %eq3A : f32 to vector<1x1024xf32>
      %eq3A_29 = arith.cmpf oeq, %while3A_27, %eq3A_28 : vector<1x1024xf32>
      %convert_element_type3A = arith.extui %eq3A_29 : vector<1x1024xi1> to vector<1x1024xi32>
      %convert_element_type3A_30 = arith.sitofp %convert_element_type3A : vector<1x1024xi32> to vector<1x1024xf32>
      %get3A_31 = arith.index_cast %scan3A_4 : i32 to index
      %get3A_32 = arith.constant 0 : index
      %get3A_33 = arith.constant 0 : index
      %get3A_34 = vector.load %arg4[%get3A_31, %get3A_32, %get3A_33] : memref<5x1024x1xf32, #tpu.memory_space<vmem>>, vector<1x1024x1xf32>
      %reshape3A = vector.shape_cast %get3A_34 : vector<1x1024x1xf32> to vector<1024x1xf32>
      %get3A_35 = arith.index_cast %scan3A_4 : i32 to index
      %get3A_36 = arith.constant 0 : index
      %get3A_37 = arith.constant 0 : index
      %get3A_38 = vector.load %arg5[%get3A_35, %get3A_36, %get3A_37] : memref<5x1024x1xf32, #tpu.memory_space<vmem>>, vector<1x1024x1xf32>
      %reshape3A_39 = vector.shape_cast %get3A_38 : vector<1x1024x1xf32> to vector<1024x1xf32>
      %get3A_40 = arith.index_cast %scan3A_4 : i32 to index
      %get3A_41 = arith.constant 0 : index
      %get3A_42 = arith.constant 0 : index
      %get3A_43 = vector.load %arg6[%get3A_40, %get3A_41, %get3A_42] : memref<5x1024x1xf32, #tpu.memory_space<vmem>>, vector<1x1024x1xf32>
      %reshape3A_44 = vector.shape_cast %get3A_43 : vector<1x1024x1xf32> to vector<1024x1xf32>
      %get3A_45 = arith.index_cast %scan3A_4 : i32 to index
      %get3A_46 = arith.constant 0 : index
      %get3A_47 = arith.constant 0 : index
      %get3A_48 = vector.load %arg7[%get3A_45, %get3A_46, %get3A_47] : memref<5x1024x1xf32, #tpu.memory_space<vmem>>, vector<1x1024x1xf32>
      %reshape3A_49 = vector.shape_cast %get3A_48 : vector<1x1024x1xf32> to vector<1024x1xf32>
      %sub3A_50 = arith.subf %reshape3A_44, %reshape3A : vector<1024x1xf32>
      %sub3A_51 = arith.subf %reshape3A_49, %reshape3A_39 : vector<1024x1xf32>
      %mul3A_52 = arith.mulf %sub3A_50, %sub3A_51 : vector<1024x1xf32>
      %max3A = vector.broadcast %reshape3A : vector<1024x1xf32> to vector<1024x1024xf32>
      %max3A_53 = vector.broadcast %get3A_6 : vector<1x1024xf32> to vector<1024x1024xf32>
      %max3A_54 = arith.maximumf %max3A, %max3A_53 : vector<1024x1024xf32>
      %max3A_55 = vector.broadcast %reshape3A_39 : vector<1024x1xf32> to vector<1024x1024xf32>
      %max3A_56 = vector.broadcast %get3A_9 : vector<1x1024xf32> to vector<1024x1024xf32>
      %max3A_57 = arith.maximumf %max3A_55, %max3A_56 : vector<1024x1024xf32>
      %min3A = vector.broadcast %reshape3A_44 : vector<1024x1xf32> to vector<1024x1024xf32>
      %min3A_58 = vector.broadcast %get3A_12 : vector<1x1024xf32> to vector<1024x1024xf32>
      %min3A_59 = arith.minimumf %min3A, %min3A_58 : vector<1024x1024xf32>
      %min3A_60 = vector.broadcast %reshape3A_49 : vector<1024x1xf32> to vector<1024x1024xf32>
      %min3A_61 = vector.broadcast %get3A_15 : vector<1x1024xf32> to vector<1024x1024xf32>
      %min3A_62 = arith.minimumf %min3A_60, %min3A_61 : vector<1024x1024xf32>
      %sub3A_63 = arith.subf %min3A_59, %max3A_54 : vector<1024x1024xf32>
      %max3A_64 = arith.constant 0.000000e+00 : f32
      %max3A_65 = vector.broadcast %max3A_64 : f32 to vector<1024x1024xf32>
      %max3A_66 = arith.maximumf %sub3A_63, %max3A_65 : vector<1024x1024xf32>
      %sub3A_67 = arith.subf %min3A_62, %max3A_57 : vector<1024x1024xf32>
      %max3A_68 = arith.constant 0.000000e+00 : f32
      %max3A_69 = vector.broadcast %max3A_68 : f32 to vector<1024x1024xf32>
      %max3A_70 = arith.maximumf %sub3A_67, %max3A_69 : vector<1024x1024xf32>
      %mul3A_71 = arith.mulf %max3A_66, %max3A_70 : vector<1024x1024xf32>
      %add3A = vector.broadcast %mul3A_52 : vector<1024x1xf32> to vector<1024x1024xf32>
      %add3A_72 = vector.broadcast %mul3A : vector<1x1024xf32> to vector<1024x1024xf32>
      %add3A_73 = arith.addf %add3A, %add3A_72 : vector<1024x1024xf32>
      %sub3A_74 = arith.subf %add3A_73, %mul3A_71 : vector<1024x1024xf32>
      %add3A_75 = arith.constant 9.99999971E-10 : f32
      %add3A_76 = vector.broadcast %add3A_75 : f32 to vector<1024x1024xf32>
      %add3A_77 = arith.addf %sub3A_74, %add3A_76 : vector<1024x1024xf32>
      %div3A = arith.divf %mul3A_71, %add3A_77 : vector<1024x1024xf32>
      %gt3A = arith.constant 5.000000e-01 : f32
      %gt3A_78 = vector.broadcast %gt3A : f32 to vector<1024x1024xf32>
      %gt3A_79 = arith.cmpf ogt, %div3A, %gt3A_78 : vector<1024x1024xf32>
      %convert_element_type3A_80 = arith.extui %gt3A_79 : vector<1024x1024xi1> to vector<1024x1024xi32>
      %convert_element_type3A_81 = arith.sitofp %convert_element_type3A_80 : vector<1024x1024xi32> to vector<1024x1024xf32>
      %iota3A = tpu.iota {dimensions = array<i32: 0>} : vector<1024x1024xi32>
      %iota3A_82 = tpu.iota {dimensions = array<i32: 1>} : vector<1024x1024xi32>
      %lt3A = arith.cmpi slt, %iota3A, %iota3A_82 : vector<1024x1024xi32>
      %convert_element_type3A_83 = arith.extui %lt3A : vector<1024x1024xi1> to vector<1024x1024xi32>
      %convert_element_type3A_84 = arith.sitofp %convert_element_type3A_83 : vector<1024x1024xi32> to vector<1024x1024xf32>
      %mul3A_85 = arith.mulf %convert_element_type3A_81, %convert_element_type3A_84 : vector<1024x1024xf32>
      %dot_general3A = arith.constant dense<0.000000e+00> : vector<1x1024xf32>
      %dot_general3A_86 = tpu.matmul %convert_element_type3A_30, %mul3A_85, %dot_general3A {dimension_numbers = #tpu.dot_dimension_numbers<[1], [0], [0], [1], [0, 0, 1, 1], [], []>, transpose_lhs_hint = false} : vector<1x1024xf32>, vector<1024x1024xf32>, vector<1x1024xf32> -> vector<1x1024xf32>
      %eq3A_87 = arith.constant 0.000000e+00 : f32
      %eq3A_88 = vector.broadcast %eq3A_87 : f32 to vector<1x1024xf32>
      %eq3A_89 = arith.cmpf oeq, %dot_general3A_86, %eq3A_88 : vector<1x1024xf32>
      %convert_element_type3A_90 = arith.extui %eq3A_89 : vector<1x1024xi1> to vector<1x1024xi32>
      %convert_element_type3A_91 = arith.sitofp %convert_element_type3A_90 : vector<1x1024xi32> to vector<1x1024xf32>
      %mul3A_92 = arith.mulf %convert_element_type3A_30, %convert_element_type3A_91 : vector<1x1024xf32>
      %while3A_93:2 = scf.while (%while3A_96 = %convert_element_type3A_30, %while3A_97 = %mul3A_92) : (vector<1x1024xf32>, vector<1x1024xf32>) -> (vector<1x1024xf32>, vector<1x1024xf32>) {
        %ne3A = arith.cmpf one, %while3A_96, %while3A_97 : vector<1x1024xf32>
        %reduce_or3A = arith.constant 1.000000e+00 : f32
        %reduce_or3A_98 = arith.constant 0.000000e+00 : f32
        %reduce_or3A_99 = vector.broadcast %reduce_or3A : f32 to vector<1x1024xf32>
        %reduce_or3A_100 = vector.broadcast %reduce_or3A_98 : f32 to vector<1x1024xf32>
        %reduce_or3A_101 = arith.select %ne3A, %reduce_or3A_99, %reduce_or3A_100 : vector<1x1024xi1>, vector<1x1024xf32>
        %reduce_or3A_102 = vector.shape_cast %reduce_or3A_101 : vector<1x1024xf32> to vector<1x1x1024xf32>
        %reduce_or3A_103 = arith.constant dense<0xFF800000> : vector<1xf32>
        %reduce_or3A_104 = vector.multi_reduction <maximumf>, %reduce_or3A_102, %reduce_or3A_103 [1, 2] : vector<1x1x1024xf32> to vector<1xf32>
        %reduce_or3A_105 = vector.shape_cast %reduce_or3A_104 : vector<1xf32> to vector<1x1x1xf32>
        %reduce_or3A_106 = vector.extract %reduce_or3A_105[0, 0, 0] : f32 from vector<1x1x1xf32>
        %reduce_or3A_107 = arith.constant 0.000000e+00 : f32
        %reduce_or3A_108 = arith.cmpf ogt, %reduce_or3A_106, %reduce_or3A_107 : f32
        scf.condition(%reduce_or3A_108) %while3A_96, %while3A_97 : vector<1x1024xf32>, vector<1x1024xf32>
      } do {
      ^bb0(%while3A_96: vector<1x1024xf32>, %while3A_97: vector<1x1024xf32>):
        %dot_general3A_98 = arith.constant dense<0.000000e+00> : vector<1x1024xf32>
        %dot_general3A_99 = tpu.matmul %while3A_97, %mul3A_85, %dot_general3A_98 {dimension_numbers = #tpu.dot_dimension_numbers<[1], [0], [0], [1], [0, 0, 1, 1], [], []>, transpose_lhs_hint = false} : vector<1x1024xf32>, vector<1024x1024xf32>, vector<1x1024xf32> -> vector<1x1024xf32>
        %eq3A_100 = arith.constant 0.000000e+00 : f32
        %eq3A_101 = vector.broadcast %eq3A_100 : f32 to vector<1x1024xf32>
        %eq3A_102 = arith.cmpf oeq, %dot_general3A_99, %eq3A_101 : vector<1x1024xf32>
        %convert_element_type3A_103 = arith.extui %eq3A_102 : vector<1x1024xi1> to vector<1x1024xi32>
        %convert_element_type3A_104 = arith.sitofp %convert_element_type3A_103 : vector<1x1024xi32> to vector<1x1024xf32>
        %mul3A_105 = arith.mulf %convert_element_type3A_30, %convert_element_type3A_104 : vector<1x1024xf32>
        scf.yield %while3A_97, %mul3A_105 : vector<1x1024xf32>, vector<1x1024xf32>
      }
      %swap3A = arith.index_cast %scan3A_4 : i32 to index
      %swap3A_94 = arith.constant 0 : index
      %swap3A_95 = vector.load %arg8[%swap3A, %swap3A_94] : memref<5x1024xf32, #tpu.memory_space<vmem>>, vector<1x1024xf32>
      tpu.vector_store %arg8[%swap3A, %swap3A_94], %while3A_93#1 {strides = array<i32>} : memref<5x1024xf32, #tpu.memory_space<vmem>>, vector<1x1024xf32>,
    }
    %scan3A_3 = arith.constant 5 : i32
    return
  }
}

module attributes {stable_mosaic.version = 14 : i64} {
  func.func @_post_kernel(%arg0: memref<40x128xf32, #tpu.memory_space<vmem>>, %arg1: memref<40x128xf32, #tpu.memory_space<vmem>>, %arg2: memref<40x128xi32, #tpu.memory_space<vmem>>, %arg3: memref<100x1x1xi32, #tpu.memory_space<vmem>>, %arg4: memref<40x128xf32, #tpu.memory_space<vmem>>, %arg5: memref<40x128xi32, #tpu.memory_space<vmem>>, %arg6: memref<40x128xi32, #tpu.memory_space<vmem>>, %arg7: memref<40x128xi32, #tpu.memory_space<vmem>>) attributes {dimension_semantics = [], scalar_prefetch = 0 : i64, scratch_operands = 0 : i64, tpu.core_type = #tpu.core_type<tc>} {
    %get3A = arith.constant 0 : index
    %get3A_0 = arith.constant 0 : index
    %get3A_1 = vector.load %arg0[%get3A, %get3A_0] : memref<40x128xf32, #tpu.memory_space<vmem>>, vector<40x128xf32>
    %gt3A = arith.constant 5.000000e-01 : f32
    %gt3A_2 = vector.broadcast %gt3A : f32 to vector<40x128xf32>
    %gt3A_3 = arith.cmpf ogt, %get3A_1, %gt3A_2 : vector<40x128xf32>
    %get3A_4 = arith.constant 0 : index
    %get3A_5 = arith.constant 0 : index
    %get3A_6 = vector.load %arg1[%get3A_4, %get3A_5] : memref<40x128xf32, #tpu.memory_space<vmem>>, vector<40x128xf32>
    %get3A_7 = arith.constant 0 : index
    %get3A_8 = arith.constant 0 : index
    %get3A_9 = vector.load %arg2[%get3A_7, %get3A_8] : memref<40x128xi32, #tpu.memory_space<vmem>>, vector<40x128xi32>
    %ge3A = arith.constant 2.000000e+00 : f32
    %ge3A_10 = vector.broadcast %ge3A : f32 to vector<40x128xf32>
    %ge3A_11 = arith.cmpf oge, %get3A_6, %ge3A_10 : vector<40x128xf32>
    %sub3A = arith.constant 2.000000e+00 : f32
    %sub3A_12 = vector.broadcast %sub3A : f32 to vector<40x128xf32>
    %sub3A_13 = arith.subf %get3A_6, %sub3A_12 : vector<40x128xf32>
    %select_n3A = arith.select %ge3A_11, %sub3A_13, %get3A_6 : vector<40x128xi1>, vector<40x128xf32>
    %ge3A_14 = arith.constant 1.000000e+00 : f32
    %ge3A_15 = vector.broadcast %ge3A_14 : f32 to vector<40x128xf32>
    %ge3A_16 = arith.cmpf oge, %select_n3A, %ge3A_15 : vector<40x128xf32>
    %sub3A_17 = arith.constant 1.000000e+00 : f32
    %sub3A_18 = vector.broadcast %sub3A_17 : f32 to vector<40x128xf32>
    %sub3A_19 = arith.subf %select_n3A, %sub3A_18 : vector<40x128xf32>
    %select_n3A_20 = arith.select %ge3A_16, %sub3A_19, %select_n3A : vector<40x128xi1>, vector<40x128xf32>
    %iota3A = tpu.iota {dimensions = array<i32: 0>} : vector<40x128xi32>
    %mul3A = arith.constant 128 : i32
    %mul3A_21 = vector.broadcast %mul3A : i32 to vector<40x128xi32>
    %mul3A_22 = arith.muli %iota3A, %mul3A_21 : vector<40x128xi32>
    %iota3A_23 = tpu.iota {dimensions = array<i32: 1>} : vector<40x128xi32>
    %add3A = arith.addi %mul3A_22, %iota3A_23 : vector<40x128xi32>
    %lt3A = arith.constant 5000 : i32
    %lt3A_24 = vector.broadcast %lt3A : i32 to vector<40x128xi32>
    %lt3A_25 = arith.cmpi slt, %add3A, %lt3A_24 : vector<40x128xi32>
    %lt3A_26 = arith.constant 0 : i32
    %lt3A_27 = vector.broadcast %lt3A_26 : i32 to vector<40x128xi32>
    %lt3A_28 = arith.cmpi slt, %get3A_9, %lt3A_27 : vector<40x128xi32>
    %and3A = arith.andi %gt3A_3, %lt3A_28 : vector<40x128xi1>
    %ge3A_29 = arith.constant 5.000000e-01 : f32
    %ge3A_30 = vector.broadcast %ge3A_29 : f32 to vector<40x128xf32>
    %ge3A_31 = arith.cmpf oge, %select_n3A_20, %ge3A_30 : vector<40x128xf32>
    %and3A_32 = arith.andi %and3A, %ge3A_31 : vector<40x128xi1>
    %and3A_33 = arith.andi %and3A_32, %lt3A_25 : vector<40x128xi1>
    %convert_element_type3A = arith.extui %and3A_33 : vector<40x128xi1> to vector<40x128xi32>
    %convert_element_type3A_34 = arith.sitofp %convert_element_type3A : vector<40x128xi32> to vector<40x128xf32>
    %iota3A_35 = tpu.iota {dimensions = array<i32: 0>} : vector<128x128xi32>
    %iota3A_36 = tpu.iota {dimensions = array<i32: 1>} : vector<128x128xi32>
    %le3A = arith.cmpi sle, %iota3A_35, %iota3A_36 : vector<128x128xi32>
    %convert_element_type3A_37 = arith.extui %le3A : vector<128x128xi1> to vector<128x128xi32>
    %convert_element_type3A_38 = arith.sitofp %convert_element_type3A_37 : vector<128x128xi32> to vector<128x128xf32>
    %dot_general3A = arith.constant dense<0.000000e+00> : vector<40x128xf32>
    %dot_general3A_39 = tpu.matmul %convert_element_type3A_34, %convert_element_type3A_38, %dot_general3A {dimension_numbers = #tpu.dot_dimension_numbers<[1], [0], [0], [1], [0, 0, 1, 1], [], []>, transpose_lhs_hint = false} : vector<40x128xf32>, vector<128x128xf32>, vector<40x128xf32> -> vector<40x128xf32>
    %slice3A = vector.extract_strided_slice %dot_general3A_39 {offsets = [0, 127], sizes = [40, 1], strides = [1, 1]} : vector<40x128xf32> to vector<40x1xf32>
    %iota3A_40 = tpu.iota {dimensions = array<i32: 0>} : vector<40x40xi32>
    %iota3A_41 = tpu.iota {dimensions = array<i32: 1>} : vector<40x40xi32>
    %lt3A_42 = arith.cmpi slt, %iota3A_41, %iota3A_40 : vector<40x40xi32>
    %convert_element_type3A_43 = arith.extui %lt3A_42 : vector<40x40xi1> to vector<40x40xi32>
    %convert_element_type3A_44 = arith.sitofp %convert_element_type3A_43 : vector<40x40xi32> to vector<40x40xf32>
    %dot_general3A_45 = arith.constant dense<0.000000e+00> : vector<40x1xf32>
    %dot_general3A_46 = tpu.matmul %convert_element_type3A_44, %slice3A, %dot_general3A_45 {dimension_numbers = #tpu.dot_dimension_numbers<[1], [0], [0], [1], [0, 0, 1, 1], [], []>, transpose_lhs_hint = false} : vector<40x40xf32>, vector<40x1xf32>, vector<40x1xf32> -> vector<40x1xf32>
    %add3A_47 = vector.broadcast %dot_general3A_46 : vector<40x1xf32> to vector<40x128xf32>
    %add3A_48 = arith.addf %dot_general3A_39, %add3A_47 : vector<40x128xf32>
    %add3A_49 = arith.constant 9.990000e+02 : f32
    %add3A_50 = vector.broadcast %add3A_49 : f32 to vector<40x128xf32>
    %add3A_51 = arith.addf %add3A_50, %add3A_48 : vector<40x128xf32>
    %convert_element_type3A_52 = arith.fptosi %add3A_51 : vector<40x128xf32> to vector<40x128xi32>
    %select_n3A_53 = arith.select %and3A_33, %convert_element_type3A_52, %get3A_9 : vector<40x128xi1>, vector<40x128xi32>
    %ge3A_54 = arith.constant 0 : i32
    %ge3A_55 = vector.broadcast %ge3A_54 : i32 to vector<40x128xi32>
    %ge3A_56 = arith.cmpi sge, %select_n3A_53, %ge3A_55 : vector<40x128xi32>
    %and3A_57 = arith.andi %gt3A_3, %ge3A_56 : vector<40x128xi1>
    %lt3A_58 = arith.constant 3.000000e-01 : f32
    %lt3A_59 = vector.broadcast %lt3A_58 : f32 to vector<40x128xf32>
    %lt3A_60 = arith.cmpf olt, %select_n3A_20, %lt3A_59 : vector<40x128xf32>
    %and3A_61 = arith.andi %and3A_57, %lt3A_60 : vector<40x128xi1>
    %broadcast_in_dim3A = vector.shape_cast %get3A_9 : vector<40x128xi32> to vector<1x40x128xi32>
    %get3A_62 = arith.constant 0 : index
    %get3A_63 = arith.constant 0 : index
    %get3A_64 = arith.constant 0 : index
    %get3A_65 = vector.load %arg3[%get3A_62, %get3A_63, %get3A_64] : memref<100x1x1xi32, #tpu.memory_space<vmem>>, vector<100x1x1xi32>
    %eq3A = vector.broadcast %broadcast_in_dim3A : vector<1x40x128xi32> to vector<100x40x128xi32>
    %eq3A_66 = vector.broadcast %get3A_65 : vector<100x1x1xi32> to vector<100x40x128xi32>
    %eq3A_67 = arith.cmpi eq, %eq3A, %eq3A_66 : vector<100x40x128xi32>
    %convert_element_type3A_68 = arith.extui %eq3A_67 : vector<100x40x128xi1> to vector<100x40x128xi32>
    %convert_element_type3A_69 = arith.sitofp %convert_element_type3A_68 : vector<100x40x128xi32> to vector<100x40x128xf32>
    %reduce_sum3A = arith.constant dense<0.000000e+00> : vector<40x128xf32>
    %reduce_sum3A_70 = vector.multi_reduction <add>, %convert_element_type3A_69, %reduce_sum3A [0] : vector<100x40x128xf32> to vector<40x128xf32>
    %gt3A_71 = arith.constant 0.000000e+00 : f32
    %gt3A_72 = vector.broadcast %gt3A_71 : f32 to vector<40x128xf32>
    %gt3A_73 = arith.cmpf ogt, %reduce_sum3A_70, %gt3A_72 : vector<40x128xf32>
    %and3A_74 = arith.andi %gt3A_3, %gt3A_73 : vector<40x128xi1>
    %ge3A_75 = arith.constant 4.000000e-01 : f32
    %ge3A_76 = vector.broadcast %ge3A_75 : f32 to vector<40x128xf32>
    %ge3A_77 = arith.cmpf oge, %select_n3A_20, %ge3A_76 : vector<40x128xf32>
    %and3A_78 = arith.andi %and3A_74, %ge3A_77 : vector<40x128xi1>
    %convert_element_type3A_79 = arith.extui %gt3A_3 : vector<40x128xi1> to vector<40x128xi32>
    %convert_element_type3A_80 = arith.sitofp %convert_element_type3A_79 : vector<40x128xi32> to vector<40x128xf32>
    %mul3A_81 = arith.mulf %select_n3A_20, %convert_element_type3A_80 : vector<40x128xf32>
    %swap3A = arith.constant 0 : index
    %swap3A_82 = arith.constant 0 : index
    %swap3A_83 = vector.load %arg4[%swap3A, %swap3A_82] : memref<40x128xf32, #tpu.memory_space<vmem>>, vector<40x128xf32>
    tpu.vector_store %arg4[%swap3A, %swap3A_82], %mul3A_81 {strides = array<i32>} : memref<40x128xf32, #tpu.memory_space<vmem>>, vector<40x128xf32>,
    %jit3A = arith.constant -1 : i32
    %broadcast_in_dim3A_84 = vector.broadcast %jit3A : i32 to vector<40x128xi32>
    %select_n3A_85 = arith.select %and3A_61, %broadcast_in_dim3A_84, %select_n3A_53 : vector<40x128xi1>, vector<40x128xi32>
    %swap3A_86 = arith.constant 0 : index
    %swap3A_87 = arith.constant 0 : index
    %swap3A_88 = vector.load %arg5[%swap3A_86, %swap3A_87] : memref<40x128xi32, #tpu.memory_space<vmem>>, vector<40x128xi32>
    tpu.vector_store %arg5[%swap3A_86, %swap3A_87], %select_n3A_85 {strides = array<i32>} : memref<40x128xi32, #tpu.memory_space<vmem>>, vector<40x128xi32>,
    %convert_element_type3A_89 = arith.extui %gt3A_3 : vector<40x128xi1> to vector<40x128xi32>
    %swap3A_90 = arith.constant 0 : index
    %swap3A_91 = arith.constant 0 : index
    %swap3A_92 = vector.load %arg6[%swap3A_90, %swap3A_91] : memref<40x128xi32, #tpu.memory_space<vmem>>, vector<40x128xi32>
    tpu.vector_store %arg6[%swap3A_90, %swap3A_91], %convert_element_type3A_89 {strides = array<i32>} : memref<40x128xi32, #tpu.memory_space<vmem>>, vector<40x128xi32>,
    %convert_element_type3A_93 = arith.extui %and3A_78 : vector<40x128xi1> to vector<40x128xi32>
    %swap3A_94 = arith.constant 0 : index
    %swap3A_95 = arith.constant 0 : index
    %swap3A_96 = vector.load %arg7[%swap3A_94, %swap3A_95] : memref<40x128xi32, #tpu.memory_space<vmem>>, vector<40x128xi32>
    tpu.vector_store %arg7[%swap3A_94, %swap3A_95], %convert_element_type3A_93 {strides = array<i32>} : memref<40x128xi32, #tpu.memory_space<vmem>>, vector<40x128xi32>,
    return
  }
}

</mosaic_0001>

<sc_bundles>
// kernel: kernel.10.cloned.1.call-start
scs
__scs_entry_jumppad:
0x0: {  	(pc) =	sbr.rel $0x88, $3  }
0x1: {  	(tag) =	ssettag $0x0;
	lr =	simm.s32 $0x1  }
0x2: {  	[smem:$0x3F9C] =	sst lr;
	_ =	strace $0xD0000000  }
0x3: {  	_ = 	snop  }
0x4: {  	_ = 	snop  }
0x5: {  	_ = 	snop  }
0x6: {  	_ = 	snop  }
0x7: {  	_ = 	snop  }
__scs_overlays_trampoline_lowered:
0x8: {  	[smem:$0x3FAB] =	sst s0  }
0x9: {  	[smem:$0x3FAC] =	sst s1  }
0xa: {  	[smem:$0x3FAD] =	sst s2  }
0xb: {  	[smem:$0x3FAE] =	sst s3  }
0xc: {  	[smem:$0x3FAF] =	sst s4  }
0xd: {  	[smem:$0x3FB0] =	sst s5  }
0xe: {  	[smem:$0x3FB1] =	sst s6  }
0xf: {  	[smem:$0x3FB2] =	sst s7  }
0x10: {  	[smem:$0x3FB3] =	sst s8  }
0x11: {  	[smem:$0x3FB4] =	sst s9;
	s0 =	simm.s32 @!p0 $0x0  }
0x12: {  	s1 =	sld [smem:$0x3F9A];
	s0 =	simm.s32 @p0 $0x1  }
0x13: {  	[smem:$0x3FB5] =	sst s0;
	s0 =	simm.s32 @!p1 $0x0  }
0x14: {  	s2 =	sld [smem:$0x3F99];
	s0 =	simm.s32 @p1 $0x1  }
0x15: {  	[smem:$0x3FB6] =	sst s0;
	s0 =	simm.s32 @!p2 $0x0  }
0x16: {  	s3 =	sld [smem:$0x3FDB];
	s0 =	simm.s32 @p2 $0x1  }
0x17: {  	s4 =	simm.s32 $0x1BF5;
	[smem:$0x3FB8] =	sst s0  }
0x18: {  	s0 =	sld [smem:$0x3F9B];
	_ =	swait.ge [sflag:s4], $0x0  }
0x19: {  	s7 =	sld [smem:$0x3F9C]  }
0x1a: {  	s8 =	sadd.s32 $0xFFFFE003, lr  }
0x1b: {  	s9 =	sadd.s32 $0xFFFFFEF7, lr;
	s5 =	simm.s32 $0xFFFFFFFF;
	p2 =	slt.u32 s8, $0xFFFFF086  }
0x1c: {  	p1 =	slt.u32 s9, $0xF7A;
	s5 =	simm.s32 @!p2 $0x0  }
0x1d: {  	s5 =	simm.s32 @p1 $0x1;
	p0 =	seq.s32 s7, s2  }
0x1e: {  	s7 =	smul.u32 @!p0 $0xF7A, s2;
	p2 =	seq.s32 @!p0 s5, $0x0  }
0x1f: {  	s9 =	smul.u32 $0xF7A, s1;
	s8 =	simm.s32 @!p0 $0x1BF5;
	p2 =	por !p2, p0  }
0x20: {  	[sflag:s8] =	ssyncset.s32 @!p0 $0xFFFFF086;
	s6 =	sadd.s32 @!p0 s3, s7;
	s7 =	simm.s32 @!p0 $0x108  }
0x21: {  	s3 =	sadd.s32 s3, s9;
	s6 =	sadd.s32 @!p0 $0x88, s6;
	s7 =	simm.s32 @p2 $0x1082  }
0x22: {  	[simem:s7], [sflag:s8] =	dma.local @!p0 [hbm:s6], $0xF7A  }
0x23: {  	s9 =	sor.u32 $0xD0000000, s2;
	s6 =	simm.s32 $0x108;
	_ =	swait.ge @!p0 [sflag:s8], $0x0  }
0x24: {  	s3 =	sadd.s32 $0x88, s3;
	s6 =	simm.s32 @!p1 $0x1082;
	[sflag:s4] =	ssyncset.s32 $0xFFFFF086  }
0x25: {  	[simem:s6], [sflag:s4] =	dma.local [hbm:s3], $0xF7A  }
0x26: {  	[smem:$0x3F9C] =	sst s1;
	(tag) =	ssettag s2;
	_ =	strace s9  }
0x27: {  	s1 =	sld [smem:$0x3FAC]  }
0x28: {  	s2 =	sld [smem:$0x3FAD]  }
0x29: {  	s4 =	sld [smem:$0x3FAF]  }
0x2a: {  	p0 =	seq.s32 s5, $0x0;
	s5 =	sld [smem:$0x3FB0]  }
0x2b: {  	s6 =	sld [smem:$0x3FB1]  }
0x2c: {  	s7 =	sld [smem:$0x3FB2]  }
0x2d: {  	s3 =	simm.s32 $0x108;
	s8 =	sld [smem:$0x3FB3]  }
0x2e: {  	s3 =	simm.s32 @!p0 $0x1082;
	s9 =	sld [smem:$0x3FB4]  }
0x2f: {  	lr =	sadd.s32 s0, s3;
	s0 =	sld [smem:$0x3FAB]  }
0x30: {  	s3 =	sld [smem:$0x3FAE]  }
0x31: {  	[smem:$0x3FB7] =	sst s10  }
0x32: {  	s10 =	sld [smem:$0x3FB5];
	_ =	sdelay $0x3  }
0x33: {  	p0 =	seq.s32 s10, $0x1;
	s10 =	sld [smem:$0x3FB7];
	_ =	sdelay $0x3  }
0x34: {  	[smem:$0x3FB7] =	sst s10  }
0x35: {  	s10 =	sld [smem:$0x3FB6];
	_ =	sdelay $0x3  }
0x36: {  	p1 =	seq.s32 s10, $0x1;
	s10 =	sld [smem:$0x3FB7];
	_ =	sdelay $0x3  }
0x37: {  	[smem:$0x3FB7] =	sst s10  }
0x38: {  	s10 =	sld [smem:$0x3FB8]  }
0x39: {  	_ = 	snop;
	(pc) =	sbr.ind lr, $3  }
0x3a: {  	_ = 	snop  }
0x3b: {  	_ = 	snop  }
0x3c: {  	p2 =	seq.s32 s10, $0x1;
	s10 =	sld [smem:$0x3FB7]  }
0x3d: {  	_ =	shalt  }
0x3e: {  	_ =	shalt  }
0x3f: {  	_ =	shalt  }
0x40: {  	_ =	shalt  }
0x41: {  	_ =	shalt  }
0x42: {  	_ =	shalt  }
0x43: {  	_ =	shalt  }
0x44: {  	_ =	shalt  }
0x45: {  	_ =	shalt  }
0x46: {  	_ =	shalt  }
0x47: {  	_ =	shalt  }
0x48: {  	_ =	shalt  }
0x49: {  	_ =	shalt  }
0x4a: {  	_ =	shalt  }
0x4b: {  	_ =	shalt  }
0x4c: {  	_ =	shalt  }
0x4d: {  	_ =	shalt  }
0x4e: {  	_ =	shalt  }
0x4f: {  	_ =	shalt  }
0x50: {  	_ =	shalt  }
0x51: {  	_ =	shalt  }
0x52: {  	_ =	shalt  }
0x53: {  	_ =	shalt  }
0x54: {  	_ =	shalt  }
0x55: {  	_ =	shalt  }
0x56: {  	_ =	shalt  }
0x57: {  	_ =	shalt  }
0x58: {  	_ =	shalt  }
0x59: {  	_ =	shalt  }
0x5a: {  	_ =	shalt  }
0x5b: {  	_ =	shalt  }
0x5c: {  	_ =	shalt  }
0x5d: {  	_ =	shalt  }
0x5e: {  	_ =	shalt  }
0x5f: {  	_ =	shalt  }
0x60: {  	_ =	shalt  }
0x61: {  	_ =	shalt  }
0x62: {  	_ =	shalt  }
0x63: {  	_ =	shalt  }
0x64: {  	_ =	shalt  }
0x65: {  	_ =	shalt  }
0x66: {  	_ =	shalt  }
0x67: {  	_ =	shalt  }
0x68: {  	_ =	shalt  }
0x69: {  	_ =	shalt  }
0x6a: {  	_ =	shalt  }
0x6b: {  	_ =	shalt  }
0x6c: {  	_ =	shalt  }
0x6d: {  	_ =	shalt  }
0x6e: {  	_ =	shalt  }
0x6f: {  	_ =	shalt  }
0x70: {  	_ =	shalt  }
0x71: {  	_ =	shalt  }
0x72: {  	_ =	shalt  }
0x73: {  	_ =	shalt  }
0x74: {  	_ =	shalt  }
0x75: {  	_ =	shalt  }
0x76: {  	_ =	shalt  }
0x77: {  	_ =	shalt  }
0x78: {  	_ =	shalt  }
0x79: {  	_ =	shalt  }
0x7a: {  	_ =	shalt  }
0x7b: {  	_ =	shalt  }
0x7c: {  	_ =	shalt  }
0x7d: {  	_ =	shalt  }
0x7e: {  	_ =	shalt  }
0x7f: {  	_ =	shalt  }
0x80: {  	_ =	shalt  }
0x81: {  	_ =	shalt  }
0x82: {  	_ =	shalt  }
0x83: {  	_ =	shalt  }
0x84: {  	_ =	shalt  }
0x85: {  	_ =	shalt  }
0x86: {  	_ =	shalt  }
0x87: {  	_ =	shalt  }
.Lfunc_end0:
.L_simem_size_0:
called_computation.1_lowered:
.L_overlay_start_0:
0x88: {  	s2 =	sld [smem:$0x3FD9]  }
0x89: {  	s3 =	sld [smem:$0x3FFE];
	_ =	sdelay $0x1  }
0x8a: {  	s1 =	srdreg.scid  }
0x8b: {  	s0 =	sand.u32 $0x1, s1  }
0x8c: {  	s14 =	sshll.u32 s0, $0xA;
	s2 =	sadd.s32 s3, s2  }
0x8d: {  	s2 =	sadd.s32 s2, s14  }
0x8e: {  	[smem:$0x3FC3] =	sst s2  }
0x8f: {  	_ = 	snop  }
0x90: {  	s2 =	sld [smem:$0x3FD0];
	_ =	sdelay $0x2  }
0x91: {  	s15 =	simm.s32 $0xA;
	s4 =	simm.s32 $0x10  }
0x92: {  	[smem:s4], [sflag:s15] =	dma.local [hbm:s2], $0x1  }
0x93: {  	_ =	swait.eq [sflag:s15], $0x1  }
0x94: {  	[sflag:s15] =	ssyncset.done $0x0  }
0x95: {  	[sflag:s15] =	ssyncadd.s32 $0xFFFFFFFF  }
0x96: {  	s16 =	sld [smem:$0x10];
	(tm) =	ssettm $0x1  }
0x97: {  	s17 =	sld [smem:$0x3FFB];
	_ =	sdelay $0x3  }
0x98: {  	_ =	strace s17  }
0x99: {  	s3 =	sld [smem:$0x3FFC];
	_ =	sdelay $0x3  }
0x9a: {  	_ =	strace s3  }
0x9b: {  	s3 =	sld [smem:$0x3FFD];
	_ =	sdelay $0x3  }
0x9c: {  	_ =	strace s3  }
0x9d: {  	_ =	strace $0x8FFFFFFF  }
0x9e: {  	s18 =	sld [smem:$0x3FDB];
	_ =	sdelay $0x1  }
0x9f: {  	s19 =	simm.s32 $_scs_section_size  }
0xa0: {  	s5 =	simm.s32 $_size__tile_overlayer_lowered;
	s6 =	simm.s32 $_tile_overlayer_lowered  }
0xa1: {  	s22 =	simm.s32 $0x1BFF;
	s21 =	sshll.u32 s6, $0x1;
	s3 =	sadd.s32 s19, s18  }
0xa2: {  	s7 =	simm.s32 $0x0;
	s20 =	sshll.u32 s5, $0x1;
	s5 =	sadd.s32 s21, s3  }
0xa3: {  	[timem:s7], [sflag:s22] =	dma.local [hbm:s5], s20  }
0xa4: {  	_ =	swait.ge [sflag:s22], s20  }
0xa5: {  	s4 =	ssub.s32 $0x0, s20;
	[sflag:s22] =	ssyncset.done $0x0  }
0xa6: {  	[sflag:s22] =	ssyncadd.s32 s4;
	_ =	sdelay $0x1  }
0xa7: {  	s23 =	simm.s32 $0x1B8B  }
0xa8: {  	_ =	swait.ge [sflag:s23], $0x1  }
0xa9: {  	[sflag:s23] =	ssyncset.done $0x0  }
0xaa: {  	s25 =	simm.s32 $0x1B8E;
	s24 =	sld [smem:$0x3FFE];
	[sflag:s23] =	ssyncadd.s32 $0xFFFFFFFF  }
0xab: {  	s26 =	simm.s32 $execute0_lowered;
	[smem:$0x3FD2] =	sst s25  }
0xac: {  	s5 =	sshll.u32 s26, $0x1;
	_ =	strace $0x80000049;
	[dreg:$0x1] =	wrdreg $0xFFFFFFFF  }
0xad: {  	s28 =	simm.s32 $_size_execute0_lowered;
	s3 =	sadd.s32 s3, s5;
	[dreg:$0x0] =	wrdreg $0x0  }
0xae: {  	s5 =	sshll.u32 s28, $0x1;
	[dreg:$0x2] =	wrdreg s3  }
0xaf: {  	[dreg:$0x3] =	wrdreg s5  }
0xb0: {  	[dreg:$0x4] =	wrdreg $0xC0  }
0xb1: {  	_ =	task [dreg:s7], $0x5FFFF  }
0xb2: {  	[dreg:$0x1] =	wrdreg $0xFFFFFFFF  }
0xb3: {  	[dreg:$0x0] =	wrdreg $0x60  }
0xb4: {  	[dreg:$0x2] =	wrdreg s24  }
0xb5: {  	[dreg:$0x3] =	wrdreg s16  }
0xb6: {  	[dreg:$0x4] =	wrdreg $0x9  }
0xb7: {  	_ =	task.clear_ibuf [dreg:s7], $0x5FFFF;
	_ =	strace $0x90000049  }
0xb8: {  	s29 =	simm.s32 $0x9;
	_ =	strace $0x8000004B  }
0xb9: {  	_ =	swait.ge [sflag:s29], $0x1  }
0xba: {  	[sflag:s29] =	ssyncadd.s32 $0xFFFFFFFF  }
0xbb: {  	_ =	strace $0x9000004B  }
0xbc: {  	_ =	sfence  }
0xbd: {  	s30 =	sld [smem:$0x0];
	_ =	sdelay $0x2  }
0xbe: {  	s31 =	sshll.u32 s1, $0xD;
	s1 =	sshrl.u32 s1, $0x2  }
0xbf: {  	s3 =	sand.u32 $0x4000, s31;
	s1 =	sadd.s32 s1, s30  }
0xc0: {  	s0 =	sor.u32 s3, s0;
	s1 =	sshll.u32 s1, $0x11  }
0xc1: {  	s0 =	sor.u32 s1, s0  }
0xc2: {  	s0 =	sadd.s32 $0x8F2B, s0  }
0xc3: {  	[sflag:s0] =	ssyncadd.remote.s32 $0x1  }
0xc4: {  	_ =	sfence.sel $0xFFFF  }
0xc5: {  	[dreg:$0x0] =	wrdreg $0xFFFFFFFF;
	(pc) =	sbr.abs _section_cstart, $3  }
0xc6: {  	[dreg:$0x1] =	wrdreg $0xFFFFFFFF  }
0xc7: {  	_ =	task.clear_ibuf [dreg:s7], $0x2FFFF;
	_ =	strace $0x9FFFFFFF  }
0xc8: {  	(tm) =	ssettm $0x7FFFFFFF  }
0xc9: {  	_ =	shalt  }
tec
execute0_lowered:
.L_overlay_start_1:
0x0: {  	(tag) =	ssettag $0x1  }
0x1: {  	s1 =	srdreg.scid;
	s0 =	stileid.u32  }
0x2: {  	s11 =	sand.u32 $0x1, s1;
	s29 =	sshll.u32 s0, $0x1  }
0x3: {  	s5 =	sor.u32 s11, s29  }
0x4: {  	s12 =	rddreg [dreg:$0x0];
	s13 =	smul.u32 $0xA0, s5  }
0x5: {  	s10 =	rddreg [dreg:$0x1];
	s2 =	simm.s32 $0x0  }
0x6: {  	s4 =	simm.s32 $0x2;
	[smem:$0x7FF] =	sst s2;
	s3 =	sshrl.u32 s13, $0x3  }
0x7: {  	s1 =	rddreg [dreg:$0x2];
	_ =	strace $0x8000004A;
	s3 =	sadd.s32 s10, s3  }
0x8: {  	[tilespmem:s2], [sflag:$0x2] =	stream.linear.gather [hbm4b:s3+s2], $0x50, $0x38;
	[tilespmem:$0x2880] =	vst v63  }
0x9: {  	s5 =	smul.u32 $0xA00, s5;
	_ =	swait.ge [sflag:s4], $0x50  }
0xa: {  	[sflag:s4] =	ssyncset.done $0x0  }
0xb: {  	s6 =	simm.s32 $0x80;
	s5 =	sadd.s32 s12, s5;
	[sflag:s4] =	ssyncadd.s32 $0xFFFFFFB0  }
0xc: {  	[tilespmem:s6], [sflag:$0x2] =	stream.linear.gather [hbm4b:s5+s2], $0x2800, $0x38;
	[tilespmem:$0x2880] =	vst v63  }
0xd: {  	_ =	swait.ge [sflag:s4], $0x2800  }
0xe: {  	s9 =	simm.s32 $0x50;
	[sflag:s4] =	ssyncset.done $0x0  }
0xf: {  	s8 =	simm.s32 $0x1;
	s7 =	sadd.s32 $0x14000, s12;
	[sflag:s4] =	ssyncadd.s32 $0xFFFFD800  }
0x10: {  	[hbm4b:s7+s9] =	stream.indirect.scatter [tilespmem:s6], [sflag:$0x1], $0x80, s2, s9, $0xb8;
	[tilespmem:$0x2880] =	vst v63  }
0x11: {  	s13 =	sadd.s32 $0x50, s13;
	_ =	swait.ge [sflag:s8], $0x2800  }
0x12: {  	s14 =	sshrl.u32 s13, $0x3;
	[sflag:s8] =	ssyncset.done $0x0  }
0x13: {  	s30 =	ssub.s32 $0x2, s11;
	s10 =	sadd.s32 s10, s14;
	[sflag:s8] =	ssyncadd.s32 $0xFFFFD800  }
0x14: {  	[tilespmem:s2], [sflag:$0x2] =	stream.linear.gather [hbm4b:s10+s2], $0x50, $0x38;
	[tilespmem:$0x2880] =	vst v63  }
0x15: {  	s31 =	sshrl.u32 s30, $0x1;
	s13 =	sshll.u32 s13, $0x4;
	_ =	swait.ge [sflag:s4], $0x50  }
0x16: {  	s11 =	sadd.s32 s12, s13;
	s12 =	ssub.s32 s30, s31;
	[sflag:s4] =	ssyncset.done $0x0  }
0x17: {  	s12 =	smax.u32 s12, $0x1;
	[sflag:s4] =	ssyncadd.s32 $0xFFFFFFB0  }
0x18: {  	[tilespmem:s6], [sflag:$0x2] =	stream.linear.gather [hbm4b:s11+s2], $0x2800, $0x38;
	[tilespmem:$0x2880] =	vst v63  }
0x19: {  	p0 =	sne.s32 s12, $0x1;
	_ =	swait.ge [sflag:s4], $0x2800  }
.Ltmp0:
0x1a: {  	[sflag:s4] =	ssyncset.done $0x0;
	(pc) =	sbr.rel @!p0 .LBB2_2-.Ltmp0, $4  }
0x1b: {  	[sflag:s4] =	ssyncadd.s32 $0xFFFFD800  }
0x1c: {  	[hbm4b:s7+s9] =	stream.indirect.scatter [tilespmem:s6], [sflag:$0x1], $0x80, s2, s9, $0xb8;
	[tilespmem:$0x2880] =	vst v63  }
0x1d: {  	_ =	swait.ge [sflag:s8], $0x2800  }
0x1e: {  	s12 =	sadd.s32 $0xFFFFFFFF, s12;
	[sflag:s8] =	ssyncset.done $0x0  }
.LBB2_1:
0x1f: {  	p0 =	sne.s32 s12, $0x1;
	s12 =	sadd.s32 $0xFFFFFFFF, s12;
	[sflag:s8] =	ssyncadd.s32 $0xFFFFD800  }
0x20: {  	[tilespmem:s2], [sflag:$0x2] =	stream.linear.gather [hbm4b:s3+s2], $0x50, $0x38;
	[tilespmem:$0x2880] =	vst v63  }
0x21: {  	_ =	swait.ge [sflag:s4], $0x50  }
0x22: {  	[sflag:s4] =	ssyncset.done $0x0  }
0x23: {  	[sflag:s4] =	ssyncadd.s32 $0xFFFFFFB0  }
0x24: {  	[tilespmem:s6], [sflag:$0x2] =	stream.linear.gather [hbm4b:s5+s2], $0x2800, $0x38;
	[tilespmem:$0x2880] =	vst v63  }
0x25: {  	_ =	swait.ge [sflag:s4], $0x2800  }
0x26: {  	[sflag:s4] =	ssyncset.done $0x0  }
0x27: {  	[sflag:s4] =	ssyncadd.s32 $0xFFFFD800  }
0x28: {  	[hbm4b:s7+s9] =	stream.indirect.scatter [tilespmem:s6], [sflag:$0x1], $0x80, s2, s9, $0xb8;
	[tilespmem:$0x2880] =	vst v63  }
0x29: {  	_ =	swait.ge [sflag:s8], $0x2800  }
0x2a: {  	[sflag:s8] =	ssyncset.done $0x0  }
0x2b: {  	[sflag:s8] =	ssyncadd.s32 $0xFFFFD800  }
0x2c: {  	[tilespmem:s2], [sflag:$0x2] =	stream.linear.gather [hbm4b:s10+s2], $0x50, $0x38;
	[tilespmem:$0x2880] =	vst v63  }
0x2d: {  	_ =	swait.ge [sflag:s4], $0x50  }
0x2e: {  	[sflag:s4] =	ssyncset.done $0x0  }
0x2f: {  	[sflag:s4] =	ssyncadd.s32 $0xFFFFFFB0  }
0x30: {  	[tilespmem:s6], [sflag:$0x2] =	stream.linear.gather [hbm4b:s11+s2], $0x2800, $0x38;
	[tilespmem:$0x2880] =	vst v63  }
0x31: {  	_ =	swait.ge [sflag:s4], $0x2800  }
.Ltmp1:
0x32: {  	[sflag:s4] =	ssyncset.done $0x0;
	(pc) =	sbr.rel @p0 .LBB2_1-.Ltmp1, $4  }
0x33: {  	[sflag:s4] =	ssyncadd.s32 $0xFFFFD800  }
0x34: {  	[hbm4b:s7+s9] =	stream.indirect.scatter [tilespmem:s6], [sflag:$0x1], $0x80, s2, s9, $0xb8;
	[tilespmem:$0x2880] =	vst v63  }
0x35: {  	_ =	swait.ge [sflag:s8], $0x2800  }
0x36: {  	[sflag:s8] =	ssyncset.done $0x0  }
.LBB2_2:
0x37: {  	[sflag:s8] =	ssyncadd.s32 $0xFFFFD800  }
0x38: {  	_ =	sfence.sel $0x180000  }
0x39: {  	[bflag:$0x0] =	sbarrier.arrive $0xFFFF  }
0x3a: {  	p0 =	sne.s32 s0, $0x0;
	_ =	strace $0x9000004A  }
0x3b: {  	s0 =	sadd.s32 @!p0 $0x100000, s1;
	[bflag:$0x2] =	sbarrier.arrive $0xFFFF  }
0x3c: {  	[sflag:s0] =	ssyncadd.tile.s32 @!p0 $0x1;
	_ =	shalt  }
.Lfunc_end2:
_tile_overlayer_lowered:
.L_overlay_start_2:
0x3d: {  	(tag) =	ssettag $0x2  }
0x3e: {  	s0 =	rddreg [dreg:$0x0];
	s2 =	stileid.u32  }
0x3f: {  	s1 =	rddreg [dreg:$0x1];
	p0 =	sne.s32 s2, $0x0  }
0x40: {  	s3 =	rddreg [dreg:$0x2];
	[bflag:$0x3] =	sbarrier.arrive $0xFFFF;
	s2 =	simm.s32 @!p0 $0x1C02  }
0x41: {  	[timem:s3], [sflag:s2] =	dma.local @!p0 [hbm:s0], s1  }
0x42: {  	s0 =	simm.s32 @!p0 $0x2  }
0x43: {  	_ =	swait.ge @!p0 [sflag:s0], s1  }
0x44: {  	s1 =	ssub.s32 @!p0 $0x0, s1;
	[sflag:s0] =	ssyncset.done @!p0 $0x0  }
0x45: {  	[sflag:s0] =	ssyncadd.s32 @!p0 s1  }
0x46: {  	[bflag:$0x3] =	sbarrier.arrive $0xFFFF  }
0x47: {  	_ =	shalt  }

// kernel: kernel.7.cloned.1.call-start
scs
__scs_entry_jumppad:
0x0: {  	(pc) =	sbr.rel $0x88, $3  }
0x1: {  	(tag) =	ssettag $0x0;
	lr =	simm.s32 $0x1  }
0x2: {  	[smem:$0x3F9C] =	sst lr;
	_ =	strace $0xD0000000  }
0x3: {  	_ = 	snop  }
0x4: {  	_ = 	snop  }
0x5: {  	_ = 	snop  }
0x6: {  	_ = 	snop  }
0x7: {  	_ = 	snop  }
__scs_overlays_trampoline_lowered:
0x8: {  	[smem:$0x3FAB] =	sst s0  }
0x9: {  	[smem:$0x3FAC] =	sst s1  }
0xa: {  	[smem:$0x3FAD] =	sst s2  }
0xb: {  	[smem:$0x3FAE] =	sst s3  }
0xc: {  	[smem:$0x3FAF] =	sst s4  }
0xd: {  	[smem:$0x3FB0] =	sst s5  }
0xe: {  	[smem:$0x3FB1] =	sst s6  }
0xf: {  	[smem:$0x3FB2] =	sst s7  }
0x10: {  	[smem:$0x3FB3] =	sst s8  }
0x11: {  	[smem:$0x3FB4] =	sst s9;
	s0 =	simm.s32 @!p0 $0x0  }
0x12: {  	s1 =	sld [smem:$0x3F9A];
	s0 =	simm.s32 @p0 $0x1  }
0x13: {  	[smem:$0x3FB5] =	sst s0;
	s0 =	simm.s32 @!p1 $0x0  }
0x14: {  	s2 =	sld [smem:$0x3F99];
	s0 =	simm.s32 @p1 $0x1  }
0x15: {  	[smem:$0x3FB6] =	sst s0;
	s0 =	simm.s32 @!p2 $0x0  }
0x16: {  	s3 =	sld [smem:$0x3FDB];
	s0 =	simm.s32 @p2 $0x1  }
0x17: {  	s4 =	simm.s32 $0x1BF5;
	[smem:$0x3FB8] =	sst s0  }
0x18: {  	s0 =	sld [smem:$0x3F9B];
	_ =	swait.ge [sflag:s4], $0x0  }
0x19: {  	s7 =	sld [smem:$0x3F9C]  }
0x1a: {  	s8 =	sadd.s32 $0xFFFFE003, lr  }
0x1b: {  	s9 =	sadd.s32 $0xFFFFFEF7, lr;
	s5 =	simm.s32 $0xFFFFFFFF;
	p2 =	slt.u32 s8, $0xFFFFF086  }
0x1c: {  	p1 =	slt.u32 s9, $0xF7A;
	s5 =	simm.s32 @!p2 $0x0  }
0x1d: {  	s5 =	simm.s32 @p1 $0x1;
	p0 =	seq.s32 s7, s2  }
0x1e: {  	s7 =	smul.u32 @!p0 $0xF7A, s2;
	p2 =	seq.s32 @!p0 s5, $0x0  }
0x1f: {  	s9 =	smul.u32 $0xF7A, s1;
	s8 =	simm.s32 @!p0 $0x1BF5;
	p2 =	por !p2, p0  }
0x20: {  	[sflag:s8] =	ssyncset.s32 @!p0 $0xFFFFF086;
	s6 =	sadd.s32 @!p0 s3, s7;
	s7 =	simm.s32 @!p0 $0x108  }
0x21: {  	s3 =	sadd.s32 s3, s9;
	s6 =	sadd.s32 @!p0 $0x88, s6;
	s7 =	simm.s32 @p2 $0x1082  }
0x22: {  	[simem:s7], [sflag:s8] =	dma.local @!p0 [hbm:s6], $0xF7A  }
0x23: {  	s9 =	sor.u32 $0xD0000000, s2;
	s6 =	simm.s32 $0x108;
	_ =	swait.ge @!p0 [sflag:s8], $0x0  }
0x24: {  	s3 =	sadd.s32 $0x88, s3;
	s6 =	simm.s32 @!p1 $0x1082;
	[sflag:s4] =	ssyncset.s32 $0xFFFFF086  }
0x25: {  	[simem:s6], [sflag:s4] =	dma.local [hbm:s3], $0xF7A  }
0x26: {  	[smem:$0x3F9C] =	sst s1;
	(tag) =	ssettag s2;
	_ =	strace s9  }
0x27: {  	s1 =	sld [smem:$0x3FAC]  }
0x28: {  	s2 =	sld [smem:$0x3FAD]  }
0x29: {  	s4 =	sld [smem:$0x3FAF]  }
0x2a: {  	p0 =	seq.s32 s5, $0x0;
	s5 =	sld [smem:$0x3FB0]  }
0x2b: {  	s6 =	sld [smem:$0x3FB1]  }
0x2c: {  	s7 =	sld [smem:$0x3FB2]  }
0x2d: {  	s3 =	simm.s32 $0x108;
	s8 =	sld [smem:$0x3FB3]  }
0x2e: {  	s3 =	simm.s32 @!p0 $0x1082;
	s9 =	sld [smem:$0x3FB4]  }
0x2f: {  	lr =	sadd.s32 s0, s3;
	s0 =	sld [smem:$0x3FAB]  }
0x30: {  	s3 =	sld [smem:$0x3FAE]  }
0x31: {  	[smem:$0x3FB7] =	sst s10  }
0x32: {  	s10 =	sld [smem:$0x3FB5];
	_ =	sdelay $0x3  }
0x33: {  	p0 =	seq.s32 s10, $0x1;
	s10 =	sld [smem:$0x3FB7];
	_ =	sdelay $0x3  }
0x34: {  	[smem:$0x3FB7] =	sst s10  }
0x35: {  	s10 =	sld [smem:$0x3FB6];
	_ =	sdelay $0x3  }
0x36: {  	p1 =	seq.s32 s10, $0x1;
	s10 =	sld [smem:$0x3FB7];
	_ =	sdelay $0x3  }
0x37: {  	[smem:$0x3FB7] =	sst s10  }
0x38: {  	s10 =	sld [smem:$0x3FB8]  }
0x39: {  	_ = 	snop;
	(pc) =	sbr.ind lr, $3  }
0x3a: {  	_ = 	snop  }
0x3b: {  	_ = 	snop  }
0x3c: {  	p2 =	seq.s32 s10, $0x1;
	s10 =	sld [smem:$0x3FB7]  }
0x3d: {  	_ =	shalt  }
0x3e: {  	_ =	shalt  }
0x3f: {  	_ =	shalt  }
0x40: {  	_ =	shalt  }
0x41: {  	_ =	shalt  }
0x42: {  	_ =	shalt  }
0x43: {  	_ =	shalt  }
0x44: {  	_ =	shalt  }
0x45: {  	_ =	shalt  }
0x46: {  	_ =	shalt  }
0x47: {  	_ =	shalt  }
0x48: {  	_ =	shalt  }
0x49: {  	_ =	shalt  }
0x4a: {  	_ =	shalt  }
0x4b: {  	_ =	shalt  }
0x4c: {  	_ =	shalt  }
0x4d: {  	_ =	shalt  }
0x4e: {  	_ =	shalt  }
0x4f: {  	_ =	shalt  }
0x50: {  	_ =	shalt  }
0x51: {  	_ =	shalt  }
0x52: {  	_ =	shalt  }
0x53: {  	_ =	shalt  }
0x54: {  	_ =	shalt  }
0x55: {  	_ =	shalt  }
0x56: {  	_ =	shalt  }
0x57: {  	_ =	shalt  }
0x58: {  	_ =	shalt  }
0x59: {  	_ =	shalt  }
0x5a: {  	_ =	shalt  }
0x5b: {  	_ =	shalt  }
0x5c: {  	_ =	shalt  }
0x5d: {  	_ =	shalt  }
0x5e: {  	_ =	shalt  }
0x5f: {  	_ =	shalt  }
0x60: {  	_ =	shalt  }
0x61: {  	_ =	shalt  }
0x62: {  	_ =	shalt  }
0x63: {  	_ =	shalt  }
0x64: {  	_ =	shalt  }
0x65: {  	_ =	shalt  }
0x66: {  	_ =	shalt  }
0x67: {  	_ =	shalt  }
0x68: {  	_ =	shalt  }
0x69: {  	_ =	shalt  }
0x6a: {  	_ =	shalt  }
0x6b: {  	_ =	shalt  }
0x6c: {  	_ =	shalt  }
0x6d: {  	_ =	shalt  }
0x6e: {  	_ =	shalt  }
0x6f: {  	_ =	shalt  }
0x70: {  	_ =	shalt  }
0x71: {  	_ =	shalt  }
0x72: {  	_ =	shalt  }
0x73: {  	_ =	shalt  }
0x74: {  	_ =	shalt  }
0x75: {  	_ =	shalt  }
0x76: {  	_ =	shalt  }
0x77: {  	_ =	shalt  }
0x78: {  	_ =	shalt  }
0x79: {  	_ =	shalt  }
0x7a: {  	_ =	shalt  }
0x7b: {  	_ =	shalt  }
0x7c: {  	_ =	shalt  }
0x7d: {  	_ =	shalt  }
0x7e: {  	_ =	shalt  }
0x7f: {  	_ =	shalt  }
0x80: {  	_ =	shalt  }
0x81: {  	_ =	shalt  }
0x82: {  	_ =	shalt  }
0x83: {  	_ =	shalt  }
0x84: {  	_ =	shalt  }
0x85: {  	_ =	shalt  }
0x86: {  	_ =	shalt  }
0x87: {  	_ =	shalt  }
.Lfunc_end0:
.L_simem_size_0:
called_computation_lowered:
.L_overlay_start_0:
0x88: {  	s2 =	sld [smem:$0x3FD9]  }
0x89: {  	s3 =	sld [smem:$0x3FFE];
	_ =	sdelay $0x1  }
0x8a: {  	s1 =	srdreg.scid  }
0x8b: {  	s0 =	sand.u32 $0x1, s1  }
0x8c: {  	s14 =	sshll.u32 s0, $0xA;
	s2 =	sadd.s32 s3, s2  }
0x8d: {  	s2 =	sadd.s32 s2, s14  }
0x8e: {  	[smem:$0x3FC3] =	sst s2  }
0x8f: {  	_ = 	snop  }
0x90: {  	s2 =	sld [smem:$0x3FD0];
	_ =	sdelay $0x2  }
0x91: {  	s15 =	simm.s32 $0xA;
	s4 =	simm.s32 $0x10  }
0x92: {  	[smem:s4], [sflag:s15] =	dma.local [hbm:s2], $0x1  }
0x93: {  	_ =	swait.eq [sflag:s15], $0x1  }
0x94: {  	[sflag:s15] =	ssyncset.done $0x0  }
0x95: {  	[sflag:s15] =	ssyncadd.s32 $0xFFFFFFFF  }
0x96: {  	s16 =	sld [smem:$0x10];
	(tm) =	ssettm $0x1  }
0x97: {  	s17 =	sld [smem:$0x3FFB];
	_ =	sdelay $0x3  }
0x98: {  	_ =	strace s17  }
0x99: {  	s3 =	sld [smem:$0x3FFC];
	_ =	sdelay $0x3  }
0x9a: {  	_ =	strace s3  }
0x9b: {  	s3 =	sld [smem:$0x3FFD];
	_ =	sdelay $0x3  }
0x9c: {  	_ =	strace s3  }
0x9d: {  	_ =	strace $0x8FFFFFFF  }
0x9e: {  	s18 =	sld [smem:$0x3FDB];
	_ =	sdelay $0x1  }
0x9f: {  	s19 =	simm.s32 $_scs_section_size  }
0xa0: {  	s5 =	simm.s32 $_size__tile_overlayer_lowered;
	s6 =	simm.s32 $_tile_overlayer_lowered  }
0xa1: {  	s22 =	simm.s32 $0x1BFF;
	s21 =	sshll.u32 s6, $0x1;
	s3 =	sadd.s32 s19, s18  }
0xa2: {  	s7 =	simm.s32 $0x0;
	s20 =	sshll.u32 s5, $0x1;
	s5 =	sadd.s32 s21, s3  }
0xa3: {  	[timem:s7], [sflag:s22] =	dma.local [hbm:s5], s20  }
0xa4: {  	_ =	swait.ge [sflag:s22], s20  }
0xa5: {  	s4 =	ssub.s32 $0x0, s20;
	[sflag:s22] =	ssyncset.done $0x0  }
0xa6: {  	[sflag:s22] =	ssyncadd.s32 s4;
	_ =	sdelay $0x1  }
0xa7: {  	s23 =	simm.s32 $0x1B8B  }
0xa8: {  	_ =	swait.ge [sflag:s23], $0x1  }
0xa9: {  	[sflag:s23] =	ssyncset.done $0x0  }
0xaa: {  	s25 =	simm.s32 $0x1B8E;
	s24 =	sld [smem:$0x3FFE];
	[sflag:s23] =	ssyncadd.s32 $0xFFFFFFFF  }
0xab: {  	s26 =	simm.s32 $execute0_lowered;
	[smem:$0x3FD2] =	sst s25  }
0xac: {  	s5 =	sshll.u32 s26, $0x1;
	_ =	strace $0x80000046;
	[dreg:$0x1] =	wrdreg $0xFFFFFFFF  }
0xad: {  	s28 =	simm.s32 $_size_execute0_lowered;
	s3 =	sadd.s32 s3, s5;
	[dreg:$0x0] =	wrdreg $0x0  }
0xae: {  	s5 =	sshll.u32 s28, $0x1;
	[dreg:$0x2] =	wrdreg s3  }
0xaf: {  	[dreg:$0x3] =	wrdreg s5  }
0xb0: {  	[dreg:$0x4] =	wrdreg $0xC0  }
0xb1: {  	_ =	task [dreg:s7], $0x5FFFF  }
0xb2: {  	[dreg:$0x1] =	wrdreg $0xFFFFFFFF  }
0xb3: {  	[dreg:$0x0] =	wrdreg $0x60  }
0xb4: {  	[dreg:$0x2] =	wrdreg s24  }
0xb5: {  	[dreg:$0x3] =	wrdreg s16  }
0xb6: {  	[dreg:$0x4] =	wrdreg $0x9  }
0xb7: {  	_ =	task.clear_ibuf [dreg:s7], $0x5FFFF;
	_ =	strace $0x90000046  }
0xb8: {  	s29 =	simm.s32 $0x9;
	_ =	strace $0x80000048  }
0xb9: {  	_ =	swait.ge [sflag:s29], $0x1  }
0xba: {  	[sflag:s29] =	ssyncadd.s32 $0xFFFFFFFF  }
0xbb: {  	_ =	strace $0x90000048  }
0xbc: {  	_ =	sfence  }
0xbd: {  	s30 =	sld [smem:$0x0];
	_ =	sdelay $0x2  }
0xbe: {  	s31 =	sshll.u32 s1, $0xD;
	s1 =	sshrl.u32 s1, $0x2  }
0xbf: {  	s3 =	sand.u32 $0x4000, s31;
	s1 =	sadd.s32 s1, s30  }
0xc0: {  	s0 =	sor.u32 s3, s0;
	s1 =	sshll.u32 s1, $0x11  }
0xc1: {  	s0 =	sor.u32 s1, s0  }
0xc2: {  	s0 =	sadd.s32 $0x8F2B, s0  }
0xc3: {  	[sflag:s0] =	ssyncadd.remote.s32 $0x1  }
0xc4: {  	_ =	sfence.sel $0xFFFF  }
0xc5: {  	[dreg:$0x0] =	wrdreg $0xFFFFFFFF;
	(pc) =	sbr.abs _section_cstart, $3  }
0xc6: {  	[dreg:$0x1] =	wrdreg $0xFFFFFFFF  }
0xc7: {  	_ =	task.clear_ibuf [dreg:s7], $0x2FFFF;
	_ =	strace $0x9FFFFFFF  }
0xc8: {  	(tm) =	ssettm $0x7FFFFFFF  }
0xc9: {  	_ =	shalt  }
tec
execute0_lowered:
.L_overlay_start_1:
0x0: {  	(tag) =	ssettag $0x1  }
0x1: {  	s1 =	srdreg.scid;
	s0 =	stileid.u32  }
0x2: {  	s11 =	sand.u32 $0x1, s1;
	s28 =	sshll.u32 s0, $0x1  }
0x3: {  	s2 =	rddreg [dreg:$0x0];
	s9 =	sor.u32 s11, s28  }
0x4: {  	s10 =	rddreg [dreg:$0x1];
	s12 =	smul.u32 $0xA0, s9  }
0x5: {  	s3 =	simm.s32 $0x0;
	s1 =	rddreg [dreg:$0x2]  }
0x6: {  	[smem:$0x7FF] =	sst s3;
	s4 =	sshrl.u32 s12, $0x3  }
0x7: {  	_ =	strace $0x80000047;
	s5 =	sadd.s32 s10, s4;
	s4 =	simm.s32 $0x2  }
0x8: {  	[tilespmem:s3], [sflag:$0x2] =	stream.linear.gather [hbm4b:s5+s3], $0x50, $0x38;
	[tilespmem:$0x2880] =	vst v63  }
0x9: {  	_ =	swait.ge [sflag:s4], $0x50  }
0xa: {  	s6 =	simm.s32 $0x50;
	[sflag:s4] =	ssyncset.done $0x0  }
0xb: {  	s7 =	simm.s32 $0x80;
	s8 =	simm.s32 $0x1;
	[sflag:s4] =	ssyncadd.s32 $0xFFFFFFB0  }
0xc: {  	[tilespmem:s7], [sflag:$0x1] =	stream.indirect.gather [hbm4b:s2+s6], $0x80, s3, s6, $0xb8;
	[tilespmem:$0x2880] =	vst v63  }
0xd: {  	s9 =	smul.u32 $0xA00, s9;
	_ =	swait.ge [sflag:s8], $0x2800  }
0xe: {  	s13 =	sadd.s32 $0x14000, s2;
	[sflag:s8] =	ssyncset.done $0x0  }
0xf: {  	s9 =	sadd.s32 s13, s9;
	[sflag:s8] =	ssyncadd.s32 $0xFFFFD800  }
0x10: {  	[hbm4b:s9+s3] =	stream.linear.scatter [tilespmem:s7], [sflag:$0x2], $0x2800, $0x38;
	[tilespmem:$0x2880] =	vst v63  }
0x11: {  	s12 =	sadd.s32 $0x50, s12;
	_ =	swait.ge [sflag:s4], $0x2800  }
0x12: {  	s14 =	sshrl.u32 s12, $0x3;
	[sflag:s4] =	ssyncset.done $0x0  }
0x13: {  	s11 =	ssub.s32 $0x2, s11;
	s10 =	sadd.s32 s10, s14;
	[sflag:s4] =	ssyncadd.s32 $0xFFFFD800  }
0x14: {  	[tilespmem:s3], [sflag:$0x2] =	stream.linear.gather [hbm4b:s10+s3], $0x50, $0x38;
	[tilespmem:$0x2880] =	vst v63  }
0x15: {  	s29 =	sshrl.u32 s11, $0x1;
	_ =	swait.ge [sflag:s4], $0x50  }
0x16: {  	s14 =	ssub.s32 s11, s29;
	[sflag:s4] =	ssyncset.done $0x0  }
0x17: {  	s31 =	smax.u32 s14, $0x1;
	[sflag:s4] =	ssyncadd.s32 $0xFFFFFFB0  }
0x18: {  	[tilespmem:s7], [sflag:$0x1] =	stream.indirect.gather [hbm4b:s2+s6], $0x80, s3, s6, $0xb8;
	[tilespmem:$0x2880] =	vst v63  }
0x19: {  	p0 =	sne.s32 s31, $0x1;
	_ =	swait.ge [sflag:s8], $0x2800  }
.Ltmp0:
0x1a: {  	s30 =	sshll.u32 s12, $0x4;
	[sflag:s8] =	ssyncset.done $0x0;
	(pc) =	sbr.rel @!p0 .LBB2_2-.Ltmp0, $4  }
0x1b: {  	s11 =	sadd.s32 s13, s30;
	[sflag:s8] =	ssyncadd.s32 $0xFFFFD800  }
0x1c: {  	[hbm4b:s11+s3] =	stream.linear.scatter [tilespmem:s7], [sflag:$0x2], $0x2800, $0x38;
	[tilespmem:$0x2880] =	vst v63  }
0x1d: {  	_ =	swait.ge [sflag:s4], $0x2800  }
0x1e: {  	s12 =	sadd.s32 $0xFFFFFFFF, s31;
	[sflag:s4] =	ssyncset.done $0x0  }
.LBB2_1:
0x1f: {  	p0 =	sne.s32 s12, $0x1;
	s12 =	sadd.s32 $0xFFFFFFFF, s12;
	[sflag:s4] =	ssyncadd.s32 $0xFFFFD800  }
0x20: {  	[tilespmem:s3], [sflag:$0x2] =	stream.linear.gather [hbm4b:s5+s3], $0x50, $0x38;
	[tilespmem:$0x2880] =	vst v63  }
0x21: {  	_ =	swait.ge [sflag:s4], $0x50  }
0x22: {  	[sflag:s4] =	ssyncset.done $0x0  }
0x23: {  	[sflag:s4] =	ssyncadd.s32 $0xFFFFFFB0  }
0x24: {  	[tilespmem:s7], [sflag:$0x1] =	stream.indirect.gather [hbm4b:s2+s6], $0x80, s3, s6, $0xb8;
	[tilespmem:$0x2880] =	vst v63  }
0x25: {  	_ =	swait.ge [sflag:s8], $0x2800  }
0x26: {  	[sflag:s8] =	ssyncset.done $0x0  }
0x27: {  	[sflag:s8] =	ssyncadd.s32 $0xFFFFD800  }
0x28: {  	[hbm4b:s9+s3] =	stream.linear.scatter [tilespmem:s7], [sflag:$0x2], $0x2800, $0x38;
	[tilespmem:$0x2880] =	vst v63  }
0x29: {  	_ =	swait.ge [sflag:s4], $0x2800  }
0x2a: {  	[sflag:s4] =	ssyncset.done $0x0  }
0x2b: {  	[sflag:s4] =	ssyncadd.s32 $0xFFFFD800  }
0x2c: {  	[tilespmem:s3], [sflag:$0x2] =	stream.linear.gather [hbm4b:s10+s3], $0x50, $0x38;
	[tilespmem:$0x2880] =	vst v63  }
0x2d: {  	_ =	swait.ge [sflag:s4], $0x50  }
0x2e: {  	[sflag:s4] =	ssyncset.done $0x0  }
0x2f: {  	[sflag:s4] =	ssyncadd.s32 $0xFFFFFFB0  }
0x30: {  	[tilespmem:s7], [sflag:$0x1] =	stream.indirect.gather [hbm4b:s2+s6], $0x80, s3, s6, $0xb8;
	[tilespmem:$0x2880] =	vst v63  }
0x31: {  	_ =	swait.ge [sflag:s8], $0x2800  }
.Ltmp1:
0x32: {  	[sflag:s8] =	ssyncset.done $0x0;
	(pc) =	sbr.rel @p0 .LBB2_1-.Ltmp1, $4  }
0x33: {  	[sflag:s8] =	ssyncadd.s32 $0xFFFFD800  }
0x34: {  	[hbm4b:s11+s3] =	stream.linear.scatter [tilespmem:s7], [sflag:$0x2], $0x2800, $0x38;
	[tilespmem:$0x2880] =	vst v63  }
0x35: {  	_ =	swait.ge [sflag:s4], $0x2800  }
0x36: {  	[sflag:s4] =	ssyncset.done $0x0  }
.LBB2_2:
0x37: {  	[sflag:s4] =	ssyncadd.s32 $0xFFFFD800  }
0x38: {  	_ =	sfence.sel $0x180000  }
0x39: {  	[bflag:$0x0] =	sbarrier.arrive $0xFFFF  }
0x3a: {  	p0 =	sne.s32 s0, $0x0;
	_ =	strace $0x90000047  }
0x3b: {  	s0 =	sadd.s32 @!p0 $0x100000, s1;
	[bflag:$0x2] =	sbarrier.arrive $0xFFFF  }
0x3c: {  	[sflag:s0] =	ssyncadd.tile.s32 @!p0 $0x1;
	_ =	shalt  }
.Lfunc_end2:
_tile_overlayer_lowered:
.L_overlay_start_2:
0x3d: {  	(tag) =	ssettag $0x2  }
0x3e: {  	s0 =	rddreg [dreg:$0x0];
	s2 =	stileid.u32  }
0x3f: {  	s1 =	rddreg [dreg:$0x1];
	p0 =	sne.s32 s2, $0x0  }
0x40: {  	s3 =	rddreg [dreg:$0x2];
	[bflag:$0x3] =	sbarrier.arrive $0xFFFF;
	s2 =	simm.s32 @!p0 $0x1C02  }
0x41: {  	[timem:s3], [sflag:s2] =	dma.local @!p0 [hbm:s0], s1  }
0x42: {  	s0 =	simm.s32 @!p0 $0x2  }
0x43: {  	_ =	swait.ge @!p0 [sflag:s0], s1  }
0x44: {  	s1 =	ssub.s32 @!p0 $0x0, s1;
	[sflag:s0] =	ssyncset.done @!p0 $0x0  }
0x45: {  	[sflag:s0] =	ssyncadd.s32 @!p0 s1  }
0x46: {  	[bflag:$0x3] =	sbarrier.arrive $0xFFFF  }
0x47: {  	_ =	shalt  }

</sc_bundles>
